<compile_context>
chip_gen: v7x
topology: tpu7x:2x2x1
jax: 0.10.2.dev20260603
libtpu: 0.0.44.dev20260713+nightly
codegen_flags: <defaults>
</compile_context>

<pallas_src>
import functools

import jax
import jax.numpy as jnp
from jax import lax
from jax.experimental import pallas as pl
from jax.experimental.pallas import tpu as pltpu
from jax.experimental.pallas import tpu_sc as plsc

B, C, N = 8, 64, 512
NUM_TYPES, D_EMB = 8, 128

_info = plsc.get_sparse_core_info()
NC, NS, L = _info.num_cores, _info.num_subcores, _info.num_lanes
NW = NC * NS

TOTAL = B * C * N * D_EMB
PER_W = TOTAL // NW
ROWS_BUF = 512
BUF_ELEMS = ROWS_BUF * D_EMB
N_WRITE = PER_W // BUF_ELEMS
HEAD_ROWS = 128
UNROLL = 4


@functools.partial(
    pl.kernel,
    mesh=plsc.VectorSubcoreMesh(core_axis_name="c", subcore_axis_name="s"),
    compiler_params=pltpu.CompilerParams(needs_layout_passes=False),
    out_type=jax.ShapeDtypeStruct((TOTAL,), jnp.float32),
    scratch_types=[
        pltpu.VMEM((L,), jnp.int32),
        pltpu.VMEM((NUM_TYPES, D_EMB), jnp.float32),
        pltpu.VMEM((BUF_ELEMS,), jnp.float32),
        pltpu.SemaphoreType.DMA,
        pltpu.SemaphoreType.DMA,
    ],
)
def _emb_broadcast(emb_hbm, idx_hbm, out_hbm, idx_v, emb_v, rows_v,
                   sem_in, sem_w):
    wid = lax.axis_index("s") * NC + lax.axis_index("c")
    my_b = wid // (NW // B)

    ins = [pltpu.async_copy(idx_hbm, idx_v, sem_in),
           pltpu.async_copy(emb_hbm, emb_v, sem_in)]
    for cp in ins:
        cp.wait()

    row_vec = plsc.load_gather(idx_v, [jnp.full((L,), my_b, jnp.int32)])
    lanes = lax.iota(jnp.int32, L)
    chunks = [
        plsc.load_gather(emb_v, [row_vec, j * L + lanes])
        for j in range(D_EMB // L)
    ]

    def fill(i, _):
        base_e = i * (UNROLL * D_EMB)
        for u in range(UNROLL):
            for j, ch in enumerate(chunks):
                rows_v[pl.ds(base_e + u * D_EMB + j * L, L)] = ch
        return 0

    base = wid * PER_W
    writes = []
    filled = 0
    for bound in (32, HEAD_ROWS, ROWS_BUF):
        lax.fori_loop(filled // UNROLL, bound // UNROLL, fill, 0)
        writes.append(
            pltpu.async_copy(
                rows_v.at[pl.ds(filled * D_EMB, (bound - filled) * D_EMB)],
                out_hbm.at[pl.ds(base + filled * D_EMB,
                                 (bound - filled) * D_EMB)], sem_w))
        filled = bound

    writes += [
        pltpu.async_copy(rows_v, out_hbm.at[pl.ds(base + i * BUF_ELEMS, BUF_ELEMS)],
                         sem_w)
        for i in range(1, N_WRITE)
    ]
    for cp in writes:
        cp.wait()


def kernel(x, emb_table, ch_indices):
    del x
    idx16 = jnp.pad(ch_indices.astype(jnp.int32), (0, L - B))
    out = _emb_broadcast(emb_table.astype(jnp.float32), idx16)
    return out.reshape(B, C, N, D_EMB)

# --- scband reference (transcript-rebuilt; emitter-appended) ---
"""Pipeline reference for scband-channel-type-embedding-89240830476801 (READ-ONLY COPY).

The authoritative reference and input builder live on the scoring server;
editing this copy changes nothing except your own understanding.
"""

import jax, jax.numpy as jnp
import numpy as np

B, C, N, D = 8, 64, 512, 128
NUM_TYPES = 8
D_EMB = 128

def setup_inputs(seed: int = 0) -> dict:
    key = jax.random.key(seed)
    k1, k2, k3 = jax.random.split(key, 3)
    x = jax.random.normal(k1, (B, C, N, D), dtype=jnp.float32)
    ch_indices = jax.random.randint(k2, (B,), 0, NUM_TYPES, dtype=jnp.int64 if jax.config.jax_enable_x64 else jnp.int32)
    emb_table = jax.random.normal(k3, (NUM_TYPES, D_EMB), dtype=jnp.float32) * 0.02
    return {"x": x, "emb_table": emb_table, "ch_indices": ch_indices}

def reference(x, emb_table, ch_indices):
    B_, C_, N_, _ = x.shape
    d_emb = emb_table.shape[1]
    # ch_modality_indices = indices.unsqueeze(1).repeat(1, C)
    idx = jnp.tile(ch_indices[:, None], (1, C_))  # [B, C]
    # emb = self.embedding(ch_modality_indices)
    emb = jnp.take(emb_table, idx, axis=0)  # [B, C, d_emb]
    # emb.unsqueeze(2).expand(B, C, N, d_emb)
    emb = jnp.broadcast_to(emb[:, :, None, :], (B_, C_, N_, d_emb))
    return emb

if __name__ == "__main__":
    import jax
    _d = setup_inputs()
    print(jax.jit(kernel)(*tuple(_d.values())))

</pallas_src>

<mosaic_0001>
#map = affine_map<(d0, d1) -> (0, 0)>
#map1 = affine_map<(d0, d1) -> (0)>
module attributes {stable_mosaic.version = 14 : i64} {
  func.func @_emb_broadcast(%arg0: i32, %arg1: i32, %arg2: memref<8x128xf32, #tpu.memory_space<hbm>>, %arg3: memref<16xi32, #tpu.memory_space<hbm>>, %arg4: memref<33554432xf32, #tpu.memory_space<hbm>>, %arg5: memref<16xi32, #tpu.memory_space<vmem>>, %arg6: memref<8x128xf32, #tpu.memory_space<vmem>>, %arg7: memref<65536xf32, #tpu.memory_space<vmem>>, %arg8: memref<!tpu.dma_semaphore, #tpu.memory_space<semaphore_mem>>, %arg9: memref<!tpu.dma_semaphore, #tpu.memory_space<semaphore_mem>>) attributes {dimension_semantics = [#tpu.dimension_semantics<core_parallel>, #tpu.dimension_semantics<subcore_parallel>], iteration_bounds = array<i64: 2, 16>, scalar_prefetch = 0 : i64, scratch_operands = 5 : i64, tpu.core_type = #tpu.core_type<sc_vector_subcore>, window_params = [{transform_indices = #map}, {transform_indices = #map1}, {transform_indices = #map1}]} {
    %mul3A = arith.constant 2 : i32
    %mul3A_0 = arith.muli %arg1, %mul3A : i32
    %add3A = arith.addi %mul3A_0, %arg0 : i32
    %jit3A = arith.constant 4 : i32
    %div3A = arith.divsi %add3A, %jit3A : i32
    %sign3A = arith.constant 0 : i32
    %sign3A_1 = arith.cmpi sgt, %add3A, %sign3A : i32
    %sign3A_2 = arith.extui %sign3A_1 : i1 to i32
    %sign3A_3 = arith.constant 0 : i32
    %sign3A_4 = arith.cmpi slt, %add3A, %sign3A_3 : i32
    %sign3A_5 = arith.extui %sign3A_4 : i1 to i32
    %sign3A_6 = arith.subi %sign3A_2, %sign3A_5 : i32
    %sign3A_7 = arith.constant 0 : i32
    %sign3A_8 = arith.cmpi sgt, %jit3A, %sign3A_7 : i32
    %sign3A_9 = arith.extui %sign3A_8 : i1 to i32
    %sign3A_10 = arith.constant 0 : i32
    %sign3A_11 = arith.cmpi slt, %jit3A, %sign3A_10 : i32
    %sign3A_12 = arith.extui %sign3A_11 : i1 to i32
    %sign3A_13 = arith.subi %sign3A_9, %sign3A_12 : i32
    %ne3A = arith.cmpi ne, %sign3A_6, %sign3A_13 : i32
    %rem3A = arith.remsi %add3A, %jit3A : i32
    %ne3A_14 = arith.constant 0 : i32
    %ne3A_15 = arith.cmpi ne, %rem3A, %ne3A_14 : i32
    %and3A = arith.andi %ne3A, %ne3A_15 : i1
    %sub3A = arith.constant 1 : i32
    %sub3A_16 = arith.subi %div3A, %sub3A : i32
    %select_n3A = arith.select %and3A, %sub3A_16, %div3A : i32
    tpu.enqueue_dma source(%arg3 : memref<16xi32, #tpu.memory_space<hbm>>) target(%arg5 : memref<16xi32, #tpu.memory_space<vmem>>) target_semaphore(%arg8 : memref<!tpu.dma_semaphore, #tpu.memory_space<semaphore_mem>>)
    tpu.enqueue_dma source(%arg2 : memref<8x128xf32, #tpu.memory_space<hbm>>) target(%arg6 : memref<8x128xf32, #tpu.memory_space<vmem>>) target_semaphore(%arg8 : memref<!tpu.dma_semaphore, #tpu.memory_space<semaphore_mem>>)
    tpu.wait_dma2 semaphore(%arg8 : memref<!tpu.dma_semaphore, #tpu.memory_space<semaphore_mem>>) src(%arg3 : memref<16xi32, #tpu.memory_space<hbm>>) dst(%arg5 : memref<16xi32, #tpu.memory_space<vmem>>)
    tpu.wait_dma2 semaphore(%arg8 : memref<!tpu.dma_semaphore, #tpu.memory_space<semaphore_mem>>) src(%arg2 : memref<8x128xf32, #tpu.memory_space<hbm>>) dst(%arg6 : memref<8x128xf32, #tpu.memory_space<vmem>>)
    %broadcast_in_dim3A = vector.broadcast %select_n3A : i32 to vector<16xi32>
    %gather3A = tpu.vector_load_idx %arg5[%broadcast_in_dim3A] : memref<16xi32, #tpu.memory_space<vmem>>[vector<16xi32>], vector<16xi32>,
    %iota3A = tpu.iota {dimensions = array<i32: 0>} : vector<16xi32>
    %add3A_17 = arith.constant 0 : i32
    %add3A_18 = vector.broadcast %add3A_17 : i32 to vector<16xi32>
    %add3A_19 = arith.addi %add3A_18, %iota3A : vector<16xi32>
    %gather3A_20 = tpu.vector_load_idx %arg6[%gather3A, %add3A_19] : memref<8x128xf32, #tpu.memory_space<vmem>>[vector<16xi32>, vector<16xi32>], vector<16xf32>,
    %add3A_21 = arith.constant 16 : i32
    %add3A_22 = vector.broadcast %add3A_21 : i32 to vector<16xi32>
    %add3A_23 = arith.addi %add3A_22, %iota3A : vector<16xi32>
    %gather3A_24 = tpu.vector_load_idx %arg6[%gather3A, %add3A_23] : memref<8x128xf32, #tpu.memory_space<vmem>>[vector<16xi32>, vector<16xi32>], vector<16xf32>,
    %add3A_25 = arith.constant 32 : i32
    %add3A_26 = vector.broadcast %add3A_25 : i32 to vector<16xi32>
    %add3A_27 = arith.addi %add3A_26, %iota3A : vector<16xi32>
    %gather3A_28 = tpu.vector_load_idx %arg6[%gather3A, %add3A_27] : memref<8x128xf32, #tpu.memory_space<vmem>>[vector<16xi32>, vector<16xi32>], vector<16xf32>,
    %add3A_29 = arith.constant 48 : i32
    %add3A_30 = vector.broadcast %add3A_29 : i32 to vector<16xi32>
    %add3A_31 = arith.addi %add3A_30, %iota3A : vector<16xi32>
    %gather3A_32 = tpu.vector_load_idx %arg6[%gather3A, %add3A_31] : memref<8x128xf32, #tpu.memory_space<vmem>>[vector<16xi32>, vector<16xi32>], vector<16xf32>,
    %add3A_33 = arith.constant 64 : i32
    %add3A_34 = vector.broadcast %add3A_33 : i32 to vector<16xi32>
    %add3A_35 = arith.addi %add3A_34, %iota3A : vector<16xi32>
    %gather3A_36 = tpu.vector_load_idx %arg6[%gather3A, %add3A_35] : memref<8x128xf32, #tpu.memory_space<vmem>>[vector<16xi32>, vector<16xi32>], vector<16xf32>,
    %add3A_37 = arith.constant 80 : i32
    %add3A_38 = vector.broadcast %add3A_37 : i32 to vector<16xi32>
    %add3A_39 = arith.addi %add3A_38, %iota3A : vector<16xi32>
    %gather3A_40 = tpu.vector_load_idx %arg6[%gather3A, %add3A_39] : memref<8x128xf32, #tpu.memory_space<vmem>>[vector<16xi32>, vector<16xi32>], vector<16xf32>,
    %add3A_41 = arith.constant 96 : i32
    %add3A_42 = vector.broadcast %add3A_41 : i32 to vector<16xi32>
    %add3A_43 = arith.addi %add3A_42, %iota3A : vector<16xi32>
    %gather3A_44 = tpu.vector_load_idx %arg6[%gather3A, %add3A_43] : memref<8x128xf32, #tpu.memory_space<vmem>>[vector<16xi32>, vector<16xi32>], vector<16xf32>,
    %add3A_45 = arith.constant 112 : i32
    %add3A_46 = vector.broadcast %add3A_45 : i32 to vector<16xi32>
    %add3A_47 = arith.addi %add3A_46, %iota3A : vector<16xi32>
    %gather3A_48 = tpu.vector_load_idx %arg6[%gather3A, %add3A_47] : memref<8x128xf32, #tpu.memory_space<vmem>>[vector<16xi32>, vector<16xi32>], vector<16xf32>,
    %mul3A_49 = arith.constant 1048576 : i32
    %mul3A_50 = arith.muli %add3A, %mul3A_49 : i32
    %scan3A = arith.constant 0 : i32
    %scan3A_51 = arith.constant 0 : i32
    %scan3A_52 = arith.constant 8 : i32
    %scan3A_53 = arith.addi %scan3A_51, %scan3A_52 : i32
    %scan3A_54 = arith.constant 1 : i32
    %scan3A_55 = scf.for %scan3A_201 = %scan3A_51 to %scan3A_53 step %scan3A_54 iter_args(%scan3A_202 = %scan3A) -> (i32)  : i32 {
      %mul3A_203 = arith.constant 512 : i32
      %mul3A_204 = arith.muli %scan3A_201, %mul3A_203 : i32
      %add3A_205 = arith.constant 0 : i32
      %add3A_206 = arith.addi %mul3A_204, %add3A_205 : i32
      %add3A_207 = arith.constant 0 : i32
      %add3A_208 = arith.addi %add3A_206, %add3A_207 : i32
      %swap3A = arith.index_cast %add3A_208 : i32 to index
      %swap3A_209 = tpu.vector_load %arg7[%swap3A] {strides = array<i32>} : memref<65536xf32, #tpu.memory_space<vmem>>, vector<16xf32>,
      tpu.vector_store %arg7[%swap3A], %gather3A_20 {strides = array<i32>} : memref<65536xf32, #tpu.memory_space<vmem>>, vector<16xf32>,
      %add3A_210 = arith.constant 0 : i32
      %add3A_211 = arith.addi %mul3A_204, %add3A_210 : i32
      %add3A_212 = arith.constant 16 : i32
      %add3A_213 = arith.addi %add3A_211, %add3A_212 : i32
      %swap3A_214 = arith.index_cast %add3A_213 : i32 to index
      %swap3A_215 = tpu.vector_load %arg7[%swap3A_214] {strides = array<i32>} : memref<65536xf32, #tpu.memory_space<vmem>>, vector<16xf32>,
      tpu.vector_store %arg7[%swap3A_214], %gather3A_24 {strides = array<i32>} : memref<65536xf32, #tpu.memory_space<vmem>>, vector<16xf32>,
      %add3A_216 = arith.constant 0 : i32
      %add3A_217 = arith.addi %mul3A_204, %add3A_216 : i32
      %add3A_218 = arith.constant 32 : i32
      %add3A_219 = arith.addi %add3A_217, %add3A_218 : i32
      %swap3A_220 = arith.index_cast %add3A_219 : i32 to index
      %swap3A_221 = tpu.vector_load %arg7[%swap3A_220] {strides = array<i32>} : memref<65536xf32, #tpu.memory_space<vmem>>, vector<16xf32>,
      tpu.vector_store %arg7[%swap3A_220], %gather3A_28 {strides = array<i32>} : memref<65536xf32, #tpu.memory_space<vmem>>, vector<16xf32>,
      %add3A_222 = arith.constant 0 : i32
      %add3A_223 = arith.addi %mul3A_204, %add3A_222 : i32
      %add3A_224 = arith.constant 48 : i32
      %add3A_225 = arith.addi %add3A_223, %add3A_224 : i32
      %swap3A_226 = arith.index_cast %add3A_225 : i32 to index
      %swap3A_227 = tpu.vector_load %arg7[%swap3A_226] {strides = array<i32>} : memref<65536xf32, #tpu.memory_space<vmem>>, vector<16xf32>,
      tpu.vector_store %arg7[%swap3A_226], %gather3A_32 {strides = array<i32>} : memref<65536xf32, #tpu.memory_space<vmem>>, vector<16xf32>,
      %add3A_228 = arith.constant 0 : i32
      %add3A_229 = arith.addi %mul3A_204, %add3A_228 : i32
      %add3A_230 = arith.constant 64 : i32
      %add3A_231 = arith.addi %add3A_229, %add3A_230 : i32
      %swap3A_232 = arith.index_cast %add3A_231 : i32 to index
      %swap3A_233 = tpu.vector_load %arg7[%swap3A_232] {strides = array<i32>} : memref<65536xf32, #tpu.memory_space<vmem>>, vector<16xf32>,
      tpu.vector_store %arg7[%swap3A_232], %gather3A_36 {strides = array<i32>} : memref<65536xf32, #tpu.memory_space<vmem>>, vector<16xf32>,
      %add3A_234 = arith.constant 0 : i32
      %add3A_235 = arith.addi %mul3A_204, %add3A_234 : i32
      %add3A_236 = arith.constant 80 : i32
      %add3A_237 = arith.addi %add3A_235, %add3A_236 : i32
      %swap3A_238 = arith.index_cast %add3A_237 : i32 to index
      %swap3A_239 = tpu.vector_load %arg7[%swap3A_238] {strides = array<i32>} : memref<65536xf32, #tpu.memory_space<vmem>>, vector<16xf32>,
      tpu.vector_store %arg7[%swap3A_238], %gather3A_40 {strides = array<i32>} : memref<65536xf32, #tpu.memory_space<vmem>>, vector<16xf32>,
      %add3A_240 = arith.constant 0 : i32
      %add3A_241 = arith.addi %mul3A_204, %add3A_240 : i32
      %add3A_242 = arith.constant 96 : i32
      %add3A_243 = arith.addi %add3A_241, %add3A_242 : i32
      %swap3A_244 = arith.index_cast %add3A_243 : i32 to index
      %swap3A_245 = tpu.vector_load %arg7[%swap3A_244] {strides = array<i32>} : memref<65536xf32, #tpu.memory_space<vmem>>, vector<16xf32>,
      tpu.vector_store %arg7[%swap3A_244], %gather3A_44 {strides = array<i32>} : memref<65536xf32, #tpu.memory_space<vmem>>, vector<16xf32>,
      %add3A_246 = arith.constant 0 : i32
      %add3A_247 = arith.addi %mul3A_204, %add3A_246 : i32
      %add3A_248 = arith.constant 112 : i32
      %add3A_249 = arith.addi %add3A_247, %add3A_248 : i32
      %swap3A_250 = arith.index_cast %add3A_249 : i32 to index
      %swap3A_251 = tpu.vector_load %arg7[%swap3A_250] {strides = array<i32>} : memref<65536xf32, #tpu.memory_space<vmem>>, vector<16xf32>,
      tpu.vector_store %arg7[%swap3A_250], %gather3A_48 {strides = array<i32>} : memref<65536xf32, #tpu.memory_space<vmem>>, vector<16xf32>,
      %add3A_252 = arith.constant 128 : i32
      %add3A_253 = arith.addi %mul3A_204, %add3A_252 : i32
      %add3A_254 = arith.constant 0 : i32
      %add3A_255 = arith.addi %add3A_253, %add3A_254 : i32
      %swap3A_256 = arith.index_cast %add3A_255 : i32 to index
      %swap3A_257 = tpu.vector_load %arg7[%swap3A_256] {strides = array<i32>} : memref<65536xf32, #tpu.memory_space<vmem>>, vector<16xf32>,
      tpu.vector_store %arg7[%swap3A_256], %gather3A_20 {strides = array<i32>} : memref<65536xf32, #tpu.memory_space<vmem>>, vector<16xf32>,
      %add3A_258 = arith.constant 128 : i32
      %add3A_259 = arith.addi %mul3A_204, %add3A_258 : i32
      %add3A_260 = arith.constant 16 : i32
      %add3A_261 = arith.addi %add3A_259, %add3A_260 : i32
      %swap3A_262 = arith.index_cast %add3A_261 : i32 to index
      %swap3A_263 = tpu.vector_load %arg7[%swap3A_262] {strides = array<i32>} : memref<65536xf32, #tpu.memory_space<vmem>>, vector<16xf32>,
      tpu.vector_store %arg7[%swap3A_262], %gather3A_24 {strides = array<i32>} : memref<65536xf32, #tpu.memory_space<vmem>>, vector<16xf32>,
      %add3A_264 = arith.constant 128 : i32
      %add3A_265 = arith.addi %mul3A_204, %add3A_264 : i32
      %add3A_266 = arith.constant 32 : i32
      %add3A_267 = arith.addi %add3A_265, %add3A_266 : i32
      %swap3A_268 = arith.index_cast %add3A_267 : i32 to index
      %swap3A_269 = tpu.vector_load %arg7[%swap3A_268] {strides = array<i32>} : memref<65536xf32, #tpu.memory_space<vmem>>, vector<16xf32>,
      tpu.vector_store %arg7[%swap3A_268], %gather3A_28 {strides = array<i32>} : memref<65536xf32, #tpu.memory_space<vmem>>, vector<16xf32>,
      %add3A_270 = arith.constant 128 : i32
      %add3A_271 = arith.addi %mul3A_204, %add3A_270 : i32
      %add3A_272 = arith.constant 48 : i32
      %add3A_273 = arith.addi %add3A_271, %add3A_272 : i32
      %swap3A_274 = arith.index_cast %add3A_273 : i32 to index
      %swap3A_275 = tpu.vector_load %arg7[%swap3A_274] {strides = array<i32>} : memref<65536xf32, #tpu.memory_space<vmem>>, vector<16xf32>,
      tpu.vector_store %arg7[%swap3A_274], %gather3A_32 {strides = array<i32>} : memref<65536xf32, #tpu.memory_space<vmem>>, vector<16xf32>,
      %add3A_276 = arith.constant 128 : i32
      %add3A_277 = arith.addi %mul3A_204, %add3A_276 : i32
      %add3A_278 = arith.constant 64 : i32
      %add3A_279 = arith.addi %add3A_277, %add3A_278 : i32
      %swap3A_280 = arith.index_cast %add3A_279 : i32 to index
      %swap3A_281 = tpu.vector_load %arg7[%swap3A_280] {strides = array<i32>} : memref<65536xf32, #tpu.memory_space<vmem>>, vector<16xf32>,
      tpu.vector_store %arg7[%swap3A_280], %gather3A_36 {strides = array<i32>} : memref<65536xf32, #tpu.memory_space<vmem>>, vector<16xf32>,
      %add3A_282 = arith.constant 128 : i32
      %add3A_283 = arith.addi %mul3A_204, %add3A_282 : i32
      %add3A_284 = arith.constant 80 : i32
      %add3A_285 = arith.addi %add3A_283, %add3A_284 : i32
      %swap3A_286 = arith.index_cast %add3A_285 : i32 to index
      %swap3A_287 = tpu.vector_load %arg7[%swap3A_286] {strides = array<i32>} : memref<65536xf32, #tpu.memory_space<vmem>>, vector<16xf32>,
      tpu.vector_store %arg7[%swap3A_286], %gather3A_40 {strides = array<i32>} : memref<65536xf32, #tpu.memory_space<vmem>>, vector<16xf32>,
      %add3A_288 = arith.constant 128 : i32
      %add3A_289 = arith.addi %mul3A_204, %add3A_288 : i32
      %add3A_290 = arith.constant 96 : i32
      %add3A_291 = arith.addi %add3A_289, %add3A_290 : i32
      %swap3A_292 = arith.index_cast %add3A_291 : i32 to index
      %swap3A_293 = tpu.vector_load %arg7[%swap3A_292] {strides = array<i32>} : memref<65536xf32, #tpu.memory_space<vmem>>, vector<16xf32>,
      tpu.vector_store %arg7[%swap3A_292], %gather3A_44 {strides = array<i32>} : memref<65536xf32, #tpu.memory_space<vmem>>, vector<16xf32>,
      %add3A_294 = arith.constant 128 : i32
      %add3A_295 = arith.addi %mul3A_204, %add3A_294 : i32
      %add3A_296 = arith.constant 112 : i32
      %add3A_297 = arith.addi %add3A_295, %add3A_296 : i32
      %swap3A_298 = arith.index_cast %add3A_297 : i32 to index
      %swap3A_299 = tpu.vector_load %arg7[%swap3A_298] {strides = array<i32>} : memref<65536xf32, #tpu.memory_space<vmem>>, vector<16xf32>,
      tpu.vector_store %arg7[%swap3A_298], %gather3A_48 {strides = array<i32>} : memref<65536xf32, #tpu.memory_space<vmem>>, vector<16xf32>,
      %add3A_300 = arith.constant 256 : i32
      %add3A_301 = arith.addi %mul3A_204, %add3A_300 : i32
      %add3A_302 = arith.constant 0 : i32
      %add3A_303 = arith.addi %add3A_301, %add3A_302 : i32
      %swap3A_304 = arith.index_cast %add3A_303 : i32 to index
      %swap3A_305 = tpu.vector_load %arg7[%swap3A_304] {strides = array<i32>} : memref<65536xf32, #tpu.memory_space<vmem>>, vector<16xf32>,
      tpu.vector_store %arg7[%swap3A_304], %gather3A_20 {strides = array<i32>} : memref<65536xf32, #tpu.memory_space<vmem>>, vector<16xf32>,
      %add3A_306 = arith.constant 256 : i32
      %add3A_307 = arith.addi %mul3A_204, %add3A_306 : i32
      %add3A_308 = arith.constant 16 : i32
      %add3A_309 = arith.addi %add3A_307, %add3A_308 : i32
      %swap3A_310 = arith.index_cast %add3A_309 : i32 to index
      %swap3A_311 = tpu.vector_load %arg7[%swap3A_310] {strides = array<i32>} : memref<65536xf32, #tpu.memory_space<vmem>>, vector<16xf32>,
      tpu.vector_store %arg7[%swap3A_310], %gather3A_24 {strides = array<i32>} : memref<65536xf32, #tpu.memory_space<vmem>>, vector<16xf32>,
      %add3A_312 = arith.constant 256 : i32
      %add3A_313 = arith.addi %mul3A_204, %add3A_312 : i32
      %add3A_314 = arith.constant 32 : i32
      %add3A_315 = arith.addi %add3A_313, %add3A_314 : i32
      %swap3A_316 = arith.index_cast %add3A_315 : i32 to index
      %swap3A_317 = tpu.vector_load %arg7[%swap3A_316] {strides = array<i32>} : memref<65536xf32, #tpu.memory_space<vmem>>, vector<16xf32>,
      tpu.vector_store %arg7[%swap3A_316], %gather3A_28 {strides = array<i32>} : memref<65536xf32, #tpu.memory_space<vmem>>, vector<16xf32>,
      %add3A_318 = arith.constant 256 : i32
      %add3A_319 = arith.addi %mul3A_204, %add3A_318 : i32
      %add3A_320 = arith.constant 48 : i32
      %add3A_321 = arith.addi %add3A_319, %add3A_320 : i32
      %swap3A_322 = arith.index_cast %add3A_321 : i32 to index
      %swap3A_323 = tpu.vector_load %arg7[%swap3A_322] {strides = array<i32>} : memref<65536xf32, #tpu.memory_space<vmem>>, vector<16xf32>,
      tpu.vector_store %arg7[%swap3A_322], %gather3A_32 {strides = array<i32>} : memref<65536xf32, #tpu.memory_space<vmem>>, vector<16xf32>,
      %add3A_324 = arith.constant 256 : i32
      %add3A_325 = arith.addi %mul3A_204, %add3A_324 : i32
      %add3A_326 = arith.constant 64 : i32
      %add3A_327 = arith.addi %add3A_325, %add3A_326 : i32
      %swap3A_328 = arith.index_cast %add3A_327 : i32 to index
      %swap3A_329 = tpu.vector_load %arg7[%swap3A_328] {strides = array<i32>} : memref<65536xf32, #tpu.memory_space<vmem>>, vector<16xf32>,
      tpu.vector_store %arg7[%swap3A_328], %gather3A_36 {strides = array<i32>} : memref<65536xf32, #tpu.memory_space<vmem>>, vector<16xf32>,
      %add3A_330 = arith.constant 256 : i32
      %add3A_331 = arith.addi %mul3A_204, %add3A_330 : i32
      %add3A_332 = arith.constant 80 : i32
      %add3A_333 = arith.addi %add3A_331, %add3A_332 : i32
      %swap3A_334 = arith.index_cast %add3A_333 : i32 to index
      %swap3A_335 = tpu.vector_load %arg7[%swap3A_334] {strides = array<i32>} : memref<65536xf32, #tpu.memory_space<vmem>>, vector<16xf32>,
      tpu.vector_store %arg7[%swap3A_334], %gather3A_40 {strides = array<i32>} : memref<65536xf32, #tpu.memory_space<vmem>>, vector<16xf32>,
      %add3A_336 = arith.constant 256 : i32
      %add3A_337 = arith.addi %mul3A_204, %add3A_336 : i32
      %add3A_338 = arith.constant 96 : i32
      %add3A_339 = arith.addi %add3A_337, %add3A_338 : i32
      %swap3A_340 = arith.index_cast %add3A_339 : i32 to index
      %swap3A_341 = tpu.vector_load %arg7[%swap3A_340] {strides = array<i32>} : memref<65536xf32, #tpu.memory_space<vmem>>, vector<16xf32>,
      tpu.vector_store %arg7[%swap3A_340], %gather3A_44 {strides = array<i32>} : memref<65536xf32, #tpu.memory_space<vmem>>, vector<16xf32>,
      %add3A_342 = arith.constant 256 : i32
      %add3A_343 = arith.addi %mul3A_204, %add3A_342 : i32
      %add3A_344 = arith.constant 112 : i32
      %add3A_345 = arith.addi %add3A_343, %add3A_344 : i32
      %swap3A_346 = arith.index_cast %add3A_345 : i32 to index
      %swap3A_347 = tpu.vector_load %arg7[%swap3A_346] {strides = array<i32>} : memref<65536xf32, #tpu.memory_space<vmem>>, vector<16xf32>,
      tpu.vector_store %arg7[%swap3A_346], %gather3A_48 {strides = array<i32>} : memref<65536xf32, #tpu.memory_space<vmem>>, vector<16xf32>,
      %add3A_348 = arith.constant 384 : i32
      %add3A_349 = arith.addi %mul3A_204, %add3A_348 : i32
      %add3A_350 = arith.constant 0 : i32
      %add3A_351 = arith.addi %add3A_349, %add3A_350 : i32
      %swap3A_352 = arith.index_cast %add3A_351 : i32 to index
      %swap3A_353 = tpu.vector_load %arg7[%swap3A_352] {strides = array<i32>} : memref<65536xf32, #tpu.memory_space<vmem>>, vector<16xf32>,
      tpu.vector_store %arg7[%swap3A_352], %gather3A_20 {strides = array<i32>} : memref<65536xf32, #tpu.memory_space<vmem>>, vector<16xf32>,
      %add3A_354 = arith.constant 384 : i32
      %add3A_355 = arith.addi %mul3A_204, %add3A_354 : i32
      %add3A_356 = arith.constant 16 : i32
      %add3A_357 = arith.addi %add3A_355, %add3A_356 : i32
      %swap3A_358 = arith.index_cast %add3A_357 : i32 to index
      %swap3A_359 = tpu.vector_load %arg7[%swap3A_358] {strides = array<i32>} : memref<65536xf32, #tpu.memory_space<vmem>>, vector<16xf32>,
      tpu.vector_store %arg7[%swap3A_358], %gather3A_24 {strides = array<i32>} : memref<65536xf32, #tpu.memory_space<vmem>>, vector<16xf32>,
      %add3A_360 = arith.constant 384 : i32
      %add3A_361 = arith.addi %mul3A_204, %add3A_360 : i32
      %add3A_362 = arith.constant 32 : i32
      %add3A_363 = arith.addi %add3A_361, %add3A_362 : i32
      %swap3A_364 = arith.index_cast %add3A_363 : i32 to index
      %swap3A_365 = tpu.vector_load %arg7[%swap3A_364] {strides = array<i32>} : memref<65536xf32, #tpu.memory_space<vmem>>, vector<16xf32>,
      tpu.vector_store %arg7[%swap3A_364], %gather3A_28 {strides = array<i32>} : memref<65536xf32, #tpu.memory_space<vmem>>, vector<16xf32>,
      %add3A_366 = arith.constant 384 : i32
      %add3A_367 = arith.addi %mul3A_204, %add3A_366 : i32
      %add3A_368 = arith.constant 48 : i32
      %add3A_369 = arith.addi %add3A_367, %add3A_368 : i32
      %swap3A_370 = arith.index_cast %add3A_369 : i32 to index
      %swap3A_371 = tpu.vector_load %arg7[%swap3A_370] {strides = array<i32>} : memref<65536xf32, #tpu.memory_space<vmem>>, vector<16xf32>,
      tpu.vector_store %arg7[%swap3A_370], %gather3A_32 {strides = array<i32>} : memref<65536xf32, #tpu.memory_space<vmem>>, vector<16xf32>,
      %add3A_372 = arith.constant 384 : i32
      %add3A_373 = arith.addi %mul3A_204, %add3A_372 : i32
      %add3A_374 = arith.constant 64 : i32
      %add3A_375 = arith.addi %add3A_373, %add3A_374 : i32
      %swap3A_376 = arith.index_cast %add3A_375 : i32 to index
      %swap3A_377 = tpu.vector_load %arg7[%swap3A_376] {strides = array<i32>} : memref<65536xf32, #tpu.memory_space<vmem>>, vector<16xf32>,
      tpu.vector_store %arg7[%swap3A_376], %gather3A_36 {strides = array<i32>} : memref<65536xf32, #tpu.memory_space<vmem>>, vector<16xf32>,
      %add3A_378 = arith.constant 384 : i32
      %add3A_379 = arith.addi %mul3A_204, %add3A_378 : i32
      %add3A_380 = arith.constant 80 : i32
      %add3A_381 = arith.addi %add3A_379, %add3A_380 : i32
      %swap3A_382 = arith.index_cast %add3A_381 : i32 to index
      %swap3A_383 = tpu.vector_load %arg7[%swap3A_382] {strides = array<i32>} : memref<65536xf32, #tpu.memory_space<vmem>>, vector<16xf32>,
      tpu.vector_store %arg7[%swap3A_382], %gather3A_40 {strides = array<i32>} : memref<65536xf32, #tpu.memory_space<vmem>>, vector<16xf32>,
      %add3A_384 = arith.constant 384 : i32
      %add3A_385 = arith.addi %mul3A_204, %add3A_384 : i32
      %add3A_386 = arith.constant 96 : i32
      %add3A_387 = arith.addi %add3A_385, %add3A_386 : i32
      %swap3A_388 = arith.index_cast %add3A_387 : i32 to index
      %swap3A_389 = tpu.vector_load %arg7[%swap3A_388] {strides = array<i32>} : memref<65536xf32, #tpu.memory_space<vmem>>, vector<16xf32>,
      tpu.vector_store %arg7[%swap3A_388], %gather3A_44 {strides = array<i32>} : memref<65536xf32, #tpu.memory_space<vmem>>, vector<16xf32>,
      %add3A_390 = arith.constant 384 : i32
      %add3A_391 = arith.addi %mul3A_204, %add3A_390 : i32
      %add3A_392 = arith.constant 112 : i32
      %add3A_393 = arith.addi %add3A_391, %add3A_392 : i32
      %swap3A_394 = arith.index_cast %add3A_393 : i32 to index
      %swap3A_395 = tpu.vector_load %arg7[%swap3A_394] {strides = array<i32>} : memref<65536xf32, #tpu.memory_space<vmem>>, vector<16xf32>,
      tpu.vector_store %arg7[%swap3A_394], %gather3A_48 {strides = array<i32>} : memref<65536xf32, #tpu.memory_space<vmem>>, vector<16xf32>,
      %scan3A_396 = arith.constant 0 : i32
      scf.yield %scan3A_396 : i32
    }
    %scan3A_56 = arith.constant 8 : i32
    %add3A_57 = arith.constant 0 : i32
    %add3A_58 = arith.addi %mul3A_50, %add3A_57 : i32
    %dma_start3A = arith.constant 0 : i32
    %dma_start3A_59 = tpu.memref_slice %arg7[%dma_start3A] : memref<65536xf32, #tpu.memory_space<vmem>> -> memref<4096xf32, #tpu.memory_space<vmem>>
    %dma_start3A_60 = tpu.memref_slice %arg4[%add3A_58] : memref<33554432xf32, #tpu.memory_space<hbm>> -> memref<4096xf32, #tpu.memory_space<hbm>>
    %dma_start3A_61 = tpu.memref_slice %arg4[%add3A_58] : memref<33554432xf32, #tpu.memory_space<hbm>> -> memref<4096xf32, #tpu.memory_space<hbm>>
    %dma_start3A_62 = arith.constant 0 : i32
    %dma_start3A_63 = tpu.memref_slice %arg7[%dma_start3A_62] : memref<65536xf32, #tpu.memory_space<vmem>> -> memref<4096xf32, #tpu.memory_space<vmem>>
    tpu.enqueue_dma source(%dma_start3A_63 : memref<4096xf32, #tpu.memory_space<vmem>>) target(%dma_start3A_61 : memref<4096xf32, #tpu.memory_space<hbm>>) target_semaphore(%arg9 : memref<!tpu.dma_semaphore, #tpu.memory_space<semaphore_mem>>)
    %scan3A_64 = arith.constant 0 : i32
    %scan3A_65 = arith.constant 8 : i32
    %scan3A_66 = arith.constant 24 : i32
    %scan3A_67 = arith.addi %scan3A_65, %scan3A_66 : i32
    %scan3A_68 = arith.constant 1 : i32
    %scan3A_69 = scf.for %scan3A_201 = %scan3A_65 to %scan3A_67 step %scan3A_68 iter_args(%scan3A_202 = %scan3A_64) -> (i32)  : i32 {
      %mul3A_203 = arith.constant 512 : i32
      %mul3A_204 = arith.muli %scan3A_201, %mul3A_203 : i32
      %add3A_205 = arith.constant 0 : i32
      %add3A_206 = arith.addi %mul3A_204, %add3A_205 : i32
      %add3A_207 = arith.constant 0 : i32
      %add3A_208 = arith.addi %add3A_206, %add3A_207 : i32
      %swap3A = arith.index_cast %add3A_208 : i32 to index
      %swap3A_209 = tpu.vector_load %arg7[%swap3A] {strides = array<i32>} : memref<65536xf32, #tpu.memory_space<vmem>>, vector<16xf32>,
      tpu.vector_store %arg7[%swap3A], %gather3A_20 {strides = array<i32>} : memref<65536xf32, #tpu.memory_space<vmem>>, vector<16xf32>,
      %add3A_210 = arith.constant 0 : i32
      %add3A_211 = arith.addi %mul3A_204, %add3A_210 : i32
      %add3A_212 = arith.constant 16 : i32
      %add3A_213 = arith.addi %add3A_211, %add3A_212 : i32
      %swap3A_214 = arith.index_cast %add3A_213 : i32 to index
      %swap3A_215 = tpu.vector_load %arg7[%swap3A_214] {strides = array<i32>} : memref<65536xf32, #tpu.memory_space<vmem>>, vector<16xf32>,
      tpu.vector_store %arg7[%swap3A_214], %gather3A_24 {strides = array<i32>} : memref<65536xf32, #tpu.memory_space<vmem>>, vector<16xf32>,
      %add3A_216 = arith.constant 0 : i32
      %add3A_217 = arith.addi %mul3A_204, %add3A_216 : i32
      %add3A_218 = arith.constant 32 : i32
      %add3A_219 = arith.addi %add3A_217, %add3A_218 : i32
      %swap3A_220 = arith.index_cast %add3A_219 : i32 to index
      %swap3A_221 = tpu.vector_load %arg7[%swap3A_220] {strides = array<i32>} : memref<65536xf32, #tpu.memory_space<vmem>>, vector<16xf32>,
      tpu.vector_store %arg7[%swap3A_220], %gather3A_28 {strides = array<i32>} : memref<65536xf32, #tpu.memory_space<vmem>>, vector<16xf32>,
      %add3A_222 = arith.constant 0 : i32
      %add3A_223 = arith.addi %mul3A_204, %add3A_222 : i32
      %add3A_224 = arith.constant 48 : i32
      %add3A_225 = arith.addi %add3A_223, %add3A_224 : i32
      %swap3A_226 = arith.index_cast %add3A_225 : i32 to index
      %swap3A_227 = tpu.vector_load %arg7[%swap3A_226] {strides = array<i32>} : memref<65536xf32, #tpu.memory_space<vmem>>, vector<16xf32>,
      tpu.vector_store %arg7[%swap3A_226], %gather3A_32 {strides = array<i32>} : memref<65536xf32, #tpu.memory_space<vmem>>, vector<16xf32>,
      %add3A_228 = arith.constant 0 : i32
      %add3A_229 = arith.addi %mul3A_204, %add3A_228 : i32
      %add3A_230 = arith.constant 64 : i32
      %add3A_231 = arith.addi %add3A_229, %add3A_230 : i32
      %swap3A_232 = arith.index_cast %add3A_231 : i32 to index
      %swap3A_233 = tpu.vector_load %arg7[%swap3A_232] {strides = array<i32>} : memref<65536xf32, #tpu.memory_space<vmem>>, vector<16xf32>,
      tpu.vector_store %arg7[%swap3A_232], %gather3A_36 {strides = array<i32>} : memref<65536xf32, #tpu.memory_space<vmem>>, vector<16xf32>,
      %add3A_234 = arith.constant 0 : i32
      %add3A_235 = arith.addi %mul3A_204, %add3A_234 : i32
      %add3A_236 = arith.constant 80 : i32
      %add3A_237 = arith.addi %add3A_235, %add3A_236 : i32
      %swap3A_238 = arith.index_cast %add3A_237 : i32 to index
      %swap3A_239 = tpu.vector_load %arg7[%swap3A_238] {strides = array<i32>} : memref<65536xf32, #tpu.memory_space<vmem>>, vector<16xf32>,
      tpu.vector_store %arg7[%swap3A_238], %gather3A_40 {strides = array<i32>} : memref<65536xf32, #tpu.memory_space<vmem>>, vector<16xf32>,
      %add3A_240 = arith.constant 0 : i32
      %add3A_241 = arith.addi %mul3A_204, %add3A_240 : i32
      %add3A_242 = arith.constant 96 : i32
      %add3A_243 = arith.addi %add3A_241, %add3A_242 : i32
      %swap3A_244 = arith.index_cast %add3A_243 : i32 to index
      %swap3A_245 = tpu.vector_load %arg7[%swap3A_244] {strides = array<i32>} : memref<65536xf32, #tpu.memory_space<vmem>>, vector<16xf32>,
      tpu.vector_store %arg7[%swap3A_244], %gather3A_44 {strides = array<i32>} : memref<65536xf32, #tpu.memory_space<vmem>>, vector<16xf32>,
      %add3A_246 = arith.constant 0 : i32
      %add3A_247 = arith.addi %mul3A_204, %add3A_246 : i32
      %add3A_248 = arith.constant 112 : i32
      %add3A_249 = arith.addi %add3A_247, %add3A_248 : i32
      %swap3A_250 = arith.index_cast %add3A_249 : i32 to index
      %swap3A_251 = tpu.vector_load %arg7[%swap3A_250] {strides = array<i32>} : memref<65536xf32, #tpu.memory_space<vmem>>, vector<16xf32>,
      tpu.vector_store %arg7[%swap3A_250], %gather3A_48 {strides = array<i32>} : memref<65536xf32, #tpu.memory_space<vmem>>, vector<16xf32>,
      %add3A_252 = arith.constant 128 : i32
      %add3A_253 = arith.addi %mul3A_204, %add3A_252 : i32
      %add3A_254 = arith.constant 0 : i32
      %add3A_255 = arith.addi %add3A_253, %add3A_254 : i32
      %swap3A_256 = arith.index_cast %add3A_255 : i32 to index
      %swap3A_257 = tpu.vector_load %arg7[%swap3A_256] {strides = array<i32>} : memref<65536xf32, #tpu.memory_space<vmem>>, vector<16xf32>,
      tpu.vector_store %arg7[%swap3A_256], %gather3A_20 {strides = array<i32>} : memref<65536xf32, #tpu.memory_space<vmem>>, vector<16xf32>,
      %add3A_258 = arith.constant 128 : i32
      %add3A_259 = arith.addi %mul3A_204, %add3A_258 : i32
      %add3A_260 = arith.constant 16 : i32
      %add3A_261 = arith.addi %add3A_259, %add3A_260 : i32
      %swap3A_262 = arith.index_cast %add3A_261 : i32 to index
      %swap3A_263 = tpu.vector_load %arg7[%swap3A_262] {strides = array<i32>} : memref<65536xf32, #tpu.memory_space<vmem>>, vector<16xf32>,
      tpu.vector_store %arg7[%swap3A_262], %gather3A_24 {strides = array<i32>} : memref<65536xf32, #tpu.memory_space<vmem>>, vector<16xf32>,
      %add3A_264 = arith.constant 128 : i32
      %add3A_265 = arith.addi %mul3A_204, %add3A_264 : i32
      %add3A_266 = arith.constant 32 : i32
      %add3A_267 = arith.addi %add3A_265, %add3A_266 : i32
      %swap3A_268 = arith.index_cast %add3A_267 : i32 to index
      %swap3A_269 = tpu.vector_load %arg7[%swap3A_268] {strides = array<i32>} : memref<65536xf32, #tpu.memory_space<vmem>>, vector<16xf32>,
      tpu.vector_store %arg7[%swap3A_268], %gather3A_28 {strides = array<i32>} : memref<65536xf32, #tpu.memory_space<vmem>>, vector<16xf32>,
      %add3A_270 = arith.constant 128 : i32
      %add3A_271 = arith.addi %mul3A_204, %add3A_270 : i32
      %add3A_272 = arith.constant 48 : i32
      %add3A_273 = arith.addi %add3A_271, %add3A_272 : i32
      %swap3A_274 = arith.index_cast %add3A_273 : i32 to index
      %swap3A_275 = tpu.vector_load %arg7[%swap3A_274] {strides = array<i32>} : memref<65536xf32, #tpu.memory_space<vmem>>, vector<16xf32>,
      tpu.vector_store %arg7[%swap3A_274], %gather3A_32 {strides = array<i32>} : memref<65536xf32, #tpu.memory_space<vmem>>, vector<16xf32>,
      %add3A_276 = arith.constant 128 : i32
      %add3A_277 = arith.addi %mul3A_204, %add3A_276 : i32
      %add3A_278 = arith.constant 64 : i32
      %add3A_279 = arith.addi %add3A_277, %add3A_278 : i32
      %swap3A_280 = arith.index_cast %add3A_279 : i32 to index
      %swap3A_281 = tpu.vector_load %arg7[%swap3A_280] {strides = array<i32>} : memref<65536xf32, #tpu.memory_space<vmem>>, vector<16xf32>,
      tpu.vector_store %arg7[%swap3A_280], %gather3A_36 {strides = array<i32>} : memref<65536xf32, #tpu.memory_space<vmem>>, vector<16xf32>,
      %add3A_282 = arith.constant 128 : i32
      %add3A_283 = arith.addi %mul3A_204, %add3A_282 : i32
      %add3A_284 = arith.constant 80 : i32
      %add3A_285 = arith.addi %add3A_283, %add3A_284 : i32
      %swap3A_286 = arith.index_cast %add3A_285 : i32 to index
      %swap3A_287 = tpu.vector_load %arg7[%swap3A_286] {strides = array<i32>} : memref<65536xf32, #tpu.memory_space<vmem>>, vector<16xf32>,
      tpu.vector_store %arg7[%swap3A_286], %gather3A_40 {strides = array<i32>} : memref<65536xf32, #tpu.memory_space<vmem>>, vector<16xf32>,
      %add3A_288 = arith.constant 128 : i32
      %add3A_289 = arith.addi %mul3A_204, %add3A_288 : i32
      %add3A_290 = arith.constant 96 : i32
      %add3A_291 = arith.addi %add3A_289, %add3A_290 : i32
      %swap3A_292 = arith.index_cast %add3A_291 : i32 to index
      %swap3A_293 = tpu.vector_load %arg7[%swap3A_292] {strides = array<i32>} : memref<65536xf32, #tpu.memory_space<vmem>>, vector<16xf32>,
      tpu.vector_store %arg7[%swap3A_292], %gather3A_44 {strides = array<i32>} : memref<65536xf32, #tpu.memory_space<vmem>>, vector<16xf32>,
      %add3A_294 = arith.constant 128 : i32
      %add3A_295 = arith.addi %mul3A_204, %add3A_294 : i32
      %add3A_296 = arith.constant 112 : i32
      %add3A_297 = arith.addi %add3A_295, %add3A_296 : i32
      %swap3A_298 = arith.index_cast %add3A_297 : i32 to index
      %swap3A_299 = tpu.vector_load %arg7[%swap3A_298] {strides = array<i32>} : memref<65536xf32, #tpu.memory_space<vmem>>, vector<16xf32>,
      tpu.vector_store %arg7[%swap3A_298], %gather3A_48 {strides = array<i32>} : memref<65536xf32, #tpu.memory_space<vmem>>, vector<16xf32>,
      %add3A_300 = arith.constant 256 : i32
      %add3A_301 = arith.addi %mul3A_204, %add3A_300 : i32
      %add3A_302 = arith.constant 0 : i32
      %add3A_303 = arith.addi %add3A_301, %add3A_302 : i32
      %swap3A_304 = arith.index_cast %add3A_303 : i32 to index
      %swap3A_305 = tpu.vector_load %arg7[%swap3A_304] {strides = array<i32>} : memref<65536xf32, #tpu.memory_space<vmem>>, vector<16xf32>,
      tpu.vector_store %arg7[%swap3A_304], %gather3A_20 {strides = array<i32>} : memref<65536xf32, #tpu.memory_space<vmem>>, vector<16xf32>,
      %add3A_306 = arith.constant 256 : i32
      %add3A_307 = arith.addi %mul3A_204, %add3A_306 : i32
      %add3A_308 = arith.constant 16 : i32
      %add3A_309 = arith.addi %add3A_307, %add3A_308 : i32
      %swap3A_310 = arith.index_cast %add3A_309 : i32 to index
      %swap3A_311 = tpu.vector_load %arg7[%swap3A_310] {strides = array<i32>} : memref<65536xf32, #tpu.memory_space<vmem>>, vector<16xf32>,
      tpu.vector_store %arg7[%swap3A_310], %gather3A_24 {strides = array<i32>} : memref<65536xf32, #tpu.memory_space<vmem>>, vector<16xf32>,
      %add3A_312 = arith.constant 256 : i32
      %add3A_313 = arith.addi %mul3A_204, %add3A_312 : i32
      %add3A_314 = arith.constant 32 : i32
      %add3A_315 = arith.addi %add3A_313, %add3A_314 : i32
      %swap3A_316 = arith.index_cast %add3A_315 : i32 to index
      %swap3A_317 = tpu.vector_load %arg7[%swap3A_316] {strides = array<i32>} : memref<65536xf32, #tpu.memory_space<vmem>>, vector<16xf32>,
      tpu.vector_store %arg7[%swap3A_316], %gather3A_28 {strides = array<i32>} : memref<65536xf32, #tpu.memory_space<vmem>>, vector<16xf32>,
      %add3A_318 = arith.constant 256 : i32
      %add3A_319 = arith.addi %mul3A_204, %add3A_318 : i32
      %add3A_320 = arith.constant 48 : i32
      %add3A_321 = arith.addi %add3A_319, %add3A_320 : i32
      %swap3A_322 = arith.index_cast %add3A_321 : i32 to index
      %swap3A_323 = tpu.vector_load %arg7[%swap3A_322] {strides = array<i32>} : memref<65536xf32, #tpu.memory_space<vmem>>, vector<16xf32>,
      tpu.vector_store %arg7[%swap3A_322], %gather3A_32 {strides = array<i32>} : memref<65536xf32, #tpu.memory_space<vmem>>, vector<16xf32>,
      %add3A_324 = arith.constant 256 : i32
      %add3A_325 = arith.addi %mul3A_204, %add3A_324 : i32
      %add3A_326 = arith.constant 64 : i32
      %add3A_327 = arith.addi %add3A_325, %add3A_326 : i32
      %swap3A_328 = arith.index_cast %add3A_327 : i32 to index
      %swap3A_329 = tpu.vector_load %arg7[%swap3A_328] {strides = array<i32>} : memref<65536xf32, #tpu.memory_space<vmem>>, vector<16xf32>,
      tpu.vector_store %arg7[%swap3A_328], %gather3A_36 {strides = array<i32>} : memref<65536xf32, #tpu.memory_space<vmem>>, vector<16xf32>,
      %add3A_330 = arith.constant 256 : i32
      %add3A_331 = arith.addi %mul3A_204, %add3A_330 : i32
      %add3A_332 = arith.constant 80 : i32
      %add3A_333 = arith.addi %add3A_331, %add3A_332 : i32
      %swap3A_334 = arith.index_cast %add3A_333 : i32 to index
      %swap3A_335 = tpu.vector_load %arg7[%swap3A_334] {strides = array<i32>} : memref<65536xf32, #tpu.memory_space<vmem>>, vector<16xf32>,
      tpu.vector_store %arg7[%swap3A_334], %gather3A_40 {strides = array<i32>} : memref<65536xf32, #tpu.memory_space<vmem>>, vector<16xf32>,
      %add3A_336 = arith.constant 256 : i32
      %add3A_337 = arith.addi %mul3A_204, %add3A_336 : i32
      %add3A_338 = arith.constant 96 : i32
      %add3A_339 = arith.addi %add3A_337, %add3A_338 : i32
      %swap3A_340 = arith.index_cast %add3A_339 : i32 to index
      %swap3A_341 = tpu.vector_load %arg7[%swap3A_340] {strides = array<i32>} : memref<65536xf32, #tpu.memory_space<vmem>>, vector<16xf32>,
      tpu.vector_store %arg7[%swap3A_340], %gather3A_44 {strides = array<i32>} : memref<65536xf32, #tpu.memory_space<vmem>>, vector<16xf32>,
      %add3A_342 = arith.constant 256 : i32
      %add3A_343 = arith.addi %mul3A_204, %add3A_342 : i32
      %add3A_344 = arith.constant 112 : i32
      %add3A_345 = arith.addi %add3A_343, %add3A_344 : i32
      %swap3A_346 = arith.index_cast %add3A_345 : i32 to index
      %swap3A_347 = tpu.vector_load %arg7[%swap3A_346] {strides = array<i32>} : memref<65536xf32, #tpu.memory_space<vmem>>, vector<16xf32>,
      tpu.vector_store %arg7[%swap3A_346], %gather3A_48 {strides = array<i32>} : memref<65536xf32, #tpu.memory_space<vmem>>, vector<16xf32>,
      %add3A_348 = arith.constant 384 : i32
      %add3A_349 = arith.addi %mul3A_204, %add3A_348 : i32
      %add3A_350 = arith.constant 0 : i32
      %add3A_351 = arith.addi %add3A_349, %add3A_350 : i32
      %swap3A_352 = arith.index_cast %add3A_351 : i32 to index
      %swap3A_353 = tpu.vector_load %arg7[%swap3A_352] {strides = array<i32>} : memref<65536xf32, #tpu.memory_space<vmem>>, vector<16xf32>,
      tpu.vector_store %arg7[%swap3A_352], %gather3A_20 {strides = array<i32>} : memref<65536xf32, #tpu.memory_space<vmem>>, vector<16xf32>,
      %add3A_354 = arith.constant 384 : i32
      %add3A_355 = arith.addi %mul3A_204, %add3A_354 : i32
      %add3A_356 = arith.constant 16 : i32
      %add3A_357 = arith.addi %add3A_355, %add3A_356 : i32
      %swap3A_358 = arith.index_cast %add3A_357 : i32 to index
      %swap3A_359 = tpu.vector_load %arg7[%swap3A_358] {strides = array<i32>} : memref<65536xf32, #tpu.memory_space<vmem>>, vector<16xf32>,
      tpu.vector_store %arg7[%swap3A_358], %gather3A_24 {strides = array<i32>} : memref<65536xf32, #tpu.memory_space<vmem>>, vector<16xf32>,
      %add3A_360 = arith.constant 384 : i32
      %add3A_361 = arith.addi %mul3A_204, %add3A_360 : i32
      %add3A_362 = arith.constant 32 : i32
      %add3A_363 = arith.addi %add3A_361, %add3A_362 : i32
      %swap3A_364 = arith.index_cast %add3A_363 : i32 to index
      %swap3A_365 = tpu.vector_load %arg7[%swap3A_364] {strides = array<i32>} : memref<65536xf32, #tpu.memory_space<vmem>>, vector<16xf32>,
      tpu.vector_store %arg7[%swap3A_364], %gather3A_28 {strides = array<i32>} : memref<65536xf32, #tpu.memory_space<vmem>>, vector<16xf32>,
      %add3A_366 = arith.constant 384 : i32
      %add3A_367 = arith.addi %mul3A_204, %add3A_366 : i32
      %add3A_368 = arith.constant 48 : i32
      %add3A_369 = arith.addi %add3A_367, %add3A_368 : i32
      %swap3A_370 = arith.index_cast %add3A_369 : i32 to index
      %swap3A_371 = tpu.vector_load %arg7[%swap3A_370] {strides = array<i32>} : memref<65536xf32, #tpu.memory_space<vmem>>, vector<16xf32>,
      tpu.vector_store %arg7[%swap3A_370], %gather3A_32 {strides = array<i32>} : memref<65536xf32, #tpu.memory_space<vmem>>, vector<16xf32>,
      %add3A_372 = arith.constant 384 : i32
      %add3A_373 = arith.addi %mul3A_204, %add3A_372 : i32
      %add3A_374 = arith.constant 64 : i32
      %add3A_375 = arith.addi %add3A_373, %add3A_374 : i32
      %swap3A_376 = arith.index_cast %add3A_375 : i32 to index
      %swap3A_377 = tpu.vector_load %arg7[%swap3A_376] {strides = array<i32>} : memref<65536xf32, #tpu.memory_space<vmem>>, vector<16xf32>,
      tpu.vector_store %arg7[%swap3A_376], %gather3A_36 {strides = array<i32>} : memref<65536xf32, #tpu.memory_space<vmem>>, vector<16xf32>,
      %add3A_378 = arith.constant 384 : i32
      %add3A_379 = arith.addi %mul3A_204, %add3A_378 : i32
      %add3A_380 = arith.constant 80 : i32
      %add3A_381 = arith.addi %add3A_379, %add3A_380 : i32
      %swap3A_382 = arith.index_cast %add3A_381 : i32 to index
      %swap3A_383 = tpu.vector_load %arg7[%swap3A_382] {strides = array<i32>} : memref<65536xf32, #tpu.memory_space<vmem>>, vector<16xf32>,
      tpu.vector_store %arg7[%swap3A_382], %gather3A_40 {strides = array<i32>} : memref<65536xf32, #tpu.memory_space<vmem>>, vector<16xf32>,
      %add3A_384 = arith.constant 384 : i32
      %add3A_385 = arith.addi %mul3A_204, %add3A_384 : i32
      %add3A_386 = arith.constant 96 : i32
      %add3A_387 = arith.addi %add3A_385, %add3A_386 : i32
      %swap3A_388 = arith.index_cast %add3A_387 : i32 to index
      %swap3A_389 = tpu.vector_load %arg7[%swap3A_388] {strides = array<i32>} : memref<65536xf32, #tpu.memory_space<vmem>>, vector<16xf32>,
      tpu.vector_store %arg7[%swap3A_388], %gather3A_44 {strides = array<i32>} : memref<65536xf32, #tpu.memory_space<vmem>>, vector<16xf32>,
      %add3A_390 = arith.constant 384 : i32
      %add3A_391 = arith.addi %mul3A_204, %add3A_390 : i32
      %add3A_392 = arith.constant 112 : i32
      %add3A_393 = arith.addi %add3A_391, %add3A_392 : i32
      %swap3A_394 = arith.index_cast %add3A_393 : i32 to index
      %swap3A_395 = tpu.vector_load %arg7[%swap3A_394] {strides = array<i32>} : memref<65536xf32, #tpu.memory_space<vmem>>, vector<16xf32>,
      tpu.vector_store %arg7[%swap3A_394], %gather3A_48 {strides = array<i32>} : memref<65536xf32, #tpu.memory_space<vmem>>, vector<16xf32>,
      %scan3A_396 = arith.constant 0 : i32
      scf.yield %scan3A_396 : i32
    }
    %scan3A_70 = arith.constant 24 : i32
    %add3A_71 = arith.constant 4096 : i32
    %add3A_72 = arith.addi %mul3A_50, %add3A_71 : i32
    %dma_start3A_73 = arith.constant 4096 : i32
    %dma_start3A_74 = tpu.memref_slice %arg7[%dma_start3A_73] : memref<65536xf32, #tpu.memory_space<vmem>> -> memref<12288xf32, #tpu.memory_space<vmem>>
    %dma_start3A_75 = tpu.memref_slice %arg4[%add3A_72] : memref<33554432xf32, #tpu.memory_space<hbm>> -> memref<12288xf32, #tpu.memory_space<hbm>>
    %dma_start3A_76 = tpu.memref_slice %arg4[%add3A_72] : memref<33554432xf32, #tpu.memory_space<hbm>> -> memref<12288xf32, #tpu.memory_space<hbm>>
    %dma_start3A_77 = arith.constant 4096 : i32
    %dma_start3A_78 = tpu.memref_slice %arg7[%dma_start3A_77] : memref<65536xf32, #tpu.memory_space<vmem>> -> memref<12288xf32, #tpu.memory_space<vmem>>
    tpu.enqueue_dma source(%dma_start3A_78 : memref<12288xf32, #tpu.memory_space<vmem>>) target(%dma_start3A_76 : memref<12288xf32, #tpu.memory_space<hbm>>) target_semaphore(%arg9 : memref<!tpu.dma_semaphore, #tpu.memory_space<semaphore_mem>>)
    %scan3A_79 = arith.constant 0 : i32
    %scan3A_80 = arith.constant 32 : i32
    %scan3A_81 = arith.constant 96 : i32
    %scan3A_82 = arith.addi %scan3A_80, %scan3A_81 : i32
    %scan3A_83 = arith.constant 1 : i32
    %scan3A_84 = scf.for %scan3A_201 = %scan3A_80 to %scan3A_82 step %scan3A_83 iter_args(%scan3A_202 = %scan3A_79) -> (i32)  : i32 {
      %mul3A_203 = arith.constant 512 : i32
      %mul3A_204 = arith.muli %scan3A_201, %mul3A_203 : i32
      %add3A_205 = arith.constant 0 : i32
      %add3A_206 = arith.addi %mul3A_204, %add3A_205 : i32
      %add3A_207 = arith.constant 0 : i32
      %add3A_208 = arith.addi %add3A_206, %add3A_207 : i32
      %swap3A = arith.index_cast %add3A_208 : i32 to index
      %swap3A_209 = tpu.vector_load %arg7[%swap3A] {strides = array<i32>} : memref<65536xf32, #tpu.memory_space<vmem>>, vector<16xf32>,
      tpu.vector_store %arg7[%swap3A], %gather3A_20 {strides = array<i32>} : memref<65536xf32, #tpu.memory_space<vmem>>, vector<16xf32>,
      %add3A_210 = arith.constant 0 : i32
      %add3A_211 = arith.addi %mul3A_204, %add3A_210 : i32
      %add3A_212 = arith.constant 16 : i32
      %add3A_213 = arith.addi %add3A_211, %add3A_212 : i32
      %swap3A_214 = arith.index_cast %add3A_213 : i32 to index
      %swap3A_215 = tpu.vector_load %arg7[%swap3A_214] {strides = array<i32>} : memref<65536xf32, #tpu.memory_space<vmem>>, vector<16xf32>,
      tpu.vector_store %arg7[%swap3A_214], %gather3A_24 {strides = array<i32>} : memref<65536xf32, #tpu.memory_space<vmem>>, vector<16xf32>,
      %add3A_216 = arith.constant 0 : i32
      %add3A_217 = arith.addi %mul3A_204, %add3A_216 : i32
      %add3A_218 = arith.constant 32 : i32
      %add3A_219 = arith.addi %add3A_217, %add3A_218 : i32
      %swap3A_220 = arith.index_cast %add3A_219 : i32 to index
      %swap3A_221 = tpu.vector_load %arg7[%swap3A_220] {strides = array<i32>} : memref<65536xf32, #tpu.memory_space<vmem>>, vector<16xf32>,
      tpu.vector_store %arg7[%swap3A_220], %gather3A_28 {strides = array<i32>} : memref<65536xf32, #tpu.memory_space<vmem>>, vector<16xf32>,
      %add3A_222 = arith.constant 0 : i32
      %add3A_223 = arith.addi %mul3A_204, %add3A_222 : i32
      %add3A_224 = arith.constant 48 : i32
      %add3A_225 = arith.addi %add3A_223, %add3A_224 : i32
      %swap3A_226 = arith.index_cast %add3A_225 : i32 to index
      %swap3A_227 = tpu.vector_load %arg7[%swap3A_226] {strides = array<i32>} : memref<65536xf32, #tpu.memory_space<vmem>>, vector<16xf32>,
      tpu.vector_store %arg7[%swap3A_226], %gather3A_32 {strides = array<i32>} : memref<65536xf32, #tpu.memory_space<vmem>>, vector<16xf32>,
      %add3A_228 = arith.constant 0 : i32
      %add3A_229 = arith.addi %mul3A_204, %add3A_228 : i32
      %add3A_230 = arith.constant 64 : i32
      %add3A_231 = arith.addi %add3A_229, %add3A_230 : i32
      %swap3A_232 = arith.index_cast %add3A_231 : i32 to index
      %swap3A_233 = tpu.vector_load %arg7[%swap3A_232] {strides = array<i32>} : memref<65536xf32, #tpu.memory_space<vmem>>, vector<16xf32>,
      tpu.vector_store %arg7[%swap3A_232], %gather3A_36 {strides = array<i32>} : memref<65536xf32, #tpu.memory_space<vmem>>, vector<16xf32>,
      %add3A_234 = arith.constant 0 : i32
      %add3A_235 = arith.addi %mul3A_204, %add3A_234 : i32
      %add3A_236 = arith.constant 80 : i32
      %add3A_237 = arith.addi %add3A_235, %add3A_236 : i32
      %swap3A_238 = arith.index_cast %add3A_237 : i32 to index
      %swap3A_239 = tpu.vector_load %arg7[%swap3A_238] {strides = array<i32>} : memref<65536xf32, #tpu.memory_space<vmem>>, vector<16xf32>,
      tpu.vector_store %arg7[%swap3A_238], %gather3A_40 {strides = array<i32>} : memref<65536xf32, #tpu.memory_space<vmem>>, vector<16xf32>,
      %add3A_240 = arith.constant 0 : i32
      %add3A_241 = arith.addi %mul3A_204, %add3A_240 : i32
      %add3A_242 = arith.constant 96 : i32
      %add3A_243 = arith.addi %add3A_241, %add3A_242 : i32
      %swap3A_244 = arith.index_cast %add3A_243 : i32 to index
      %swap3A_245 = tpu.vector_load %arg7[%swap3A_244] {strides = array<i32>} : memref<65536xf32, #tpu.memory_space<vmem>>, vector<16xf32>,
      tpu.vector_store %arg7[%swap3A_244], %gather3A_44 {strides = array<i32>} : memref<65536xf32, #tpu.memory_space<vmem>>, vector<16xf32>,
      %add3A_246 = arith.constant 0 : i32
      %add3A_247 = arith.addi %mul3A_204, %add3A_246 : i32
      %add3A_248 = arith.constant 112 : i32
      %add3A_249 = arith.addi %add3A_247, %add3A_248 : i32
      %swap3A_250 = arith.index_cast %add3A_249 : i32 to index
      %swap3A_251 = tpu.vector_load %arg7[%swap3A_250] {strides = array<i32>} : memref<65536xf32, #tpu.memory_space<vmem>>, vector<16xf32>,
      tpu.vector_store %arg7[%swap3A_250], %gather3A_48 {strides = array<i32>} : memref<65536xf32, #tpu.memory_space<vmem>>, vector<16xf32>,
      %add3A_252 = arith.constant 128 : i32
      %add3A_253 = arith.addi %mul3A_204, %add3A_252 : i32
      %add3A_254 = arith.constant 0 : i32
      %add3A_255 = arith.addi %add3A_253, %add3A_254 : i32
      %swap3A_256 = arith.index_cast %add3A_255 : i32 to index
      %swap3A_257 = tpu.vector_load %arg7[%swap3A_256] {strides = array<i32>} : memref<65536xf32, #tpu.memory_space<vmem>>, vector<16xf32>,
      tpu.vector_store %arg7[%swap3A_256], %gather3A_20 {strides = array<i32>} : memref<65536xf32, #tpu.memory_space<vmem>>, vector<16xf32>,
      %add3A_258 = arith.constant 128 : i32
      %add3A_259 = arith.addi %mul3A_204, %add3A_258 : i32
      %add3A_260 = arith.constant 16 : i32
      %add3A_261 = arith.addi %add3A_259, %add3A_260 : i32
      %swap3A_262 = arith.index_cast %add3A_261 : i32 to index
      %swap3A_263 = tpu.vector_load %arg7[%swap3A_262] {strides = array<i32>} : memref<65536xf32, #tpu.memory_space<vmem>>, vector<16xf32>,
      tpu.vector_store %arg7[%swap3A_262], %gather3A_24 {strides = array<i32>} : memref<65536xf32, #tpu.memory_space<vmem>>, vector<16xf32>,
      %add3A_264 = arith.constant 128 : i32
      %add3A_265 = arith.addi %mul3A_204, %add3A_264 : i32
      %add3A_266 = arith.constant 32 : i32
      %add3A_267 = arith.addi %add3A_265, %add3A_266 : i32
      %swap3A_268 = arith.index_cast %add3A_267 : i32 to index
      %swap3A_269 = tpu.vector_load %arg7[%swap3A_268] {strides = array<i32>} : memref<65536xf32, #tpu.memory_space<vmem>>, vector<16xf32>,
      tpu.vector_store %arg7[%swap3A_268], %gather3A_28 {strides = array<i32>} : memref<65536xf32, #tpu.memory_space<vmem>>, vector<16xf32>,
      %add3A_270 = arith.constant 128 : i32
      %add3A_271 = arith.addi %mul3A_204, %add3A_270 : i32
      %add3A_272 = arith.constant 48 : i32
      %add3A_273 = arith.addi %add3A_271, %add3A_272 : i32
      %swap3A_274 = arith.index_cast %add3A_273 : i32 to index
      %swap3A_275 = tpu.vector_load %arg7[%swap3A_274] {strides = array<i32>} : memref<65536xf32, #tpu.memory_space<vmem>>, vector<16xf32>,
      tpu.vector_store %arg7[%swap3A_274], %gather3A_32 {strides = array<i32>} : memref<65536xf32, #tpu.memory_space<vmem>>, vector<16xf32>,
      %add3A_276 = arith.constant 128 : i32
      %add3A_277 = arith.addi %mul3A_204, %add3A_276 : i32
      %add3A_278 = arith.constant 64 : i32
      %add3A_279 = arith.addi %add3A_277, %add3A_278 : i32
      %swap3A_280 = arith.index_cast %add3A_279 : i32 to index
      %swap3A_281 = tpu.vector_load %arg7[%swap3A_280] {strides = array<i32>} : memref<65536xf32, #tpu.memory_space<vmem>>, vector<16xf32>,
      tpu.vector_store %arg7[%swap3A_280], %gather3A_36 {strides = array<i32>} : memref<65536xf32, #tpu.memory_space<vmem>>, vector<16xf32>,
      %add3A_282 = arith.constant 128 : i32
      %add3A_283 = arith.addi %mul3A_204, %add3A_282 : i32
      %add3A_284 = arith.constant 80 : i32
      %add3A_285 = arith.addi %add3A_283, %add3A_284 : i32
      %swap3A_286 = arith.index_cast %add3A_285 : i32 to index
      %swap3A_287 = tpu.vector_load %arg7[%swap3A_286] {strides = array<i32>} : memref<65536xf32, #tpu.memory_space<vmem>>, vector<16xf32>,
      tpu.vector_store %arg7[%swap3A_286], %gather3A_40 {strides = array<i32>} : memref<65536xf32, #tpu.memory_space<vmem>>, vector<16xf32>,
      %add3A_288 = arith.constant 128 : i32
      %add3A_289 = arith.addi %mul3A_204, %add3A_288 : i32
      %add3A_290 = arith.constant 96 : i32
      %add3A_291 = arith.addi %add3A_289, %add3A_290 : i32
      %swap3A_292 = arith.index_cast %add3A_291 : i32 to index
      %swap3A_293 = tpu.vector_load %arg7[%swap3A_292] {strides = array<i32>} : memref<65536xf32, #tpu.memory_space<vmem>>, vector<16xf32>,
      tpu.vector_store %arg7[%swap3A_292], %gather3A_44 {strides = array<i32>} : memref<65536xf32, #tpu.memory_space<vmem>>, vector<16xf32>,
      %add3A_294 = arith.constant 128 : i32
      %add3A_295 = arith.addi %mul3A_204, %add3A_294 : i32
      %add3A_296 = arith.constant 112 : i32
      %add3A_297 = arith.addi %add3A_295, %add3A_296 : i32
      %swap3A_298 = arith.index_cast %add3A_297 : i32 to index
      %swap3A_299 = tpu.vector_load %arg7[%swap3A_298] {strides = array<i32>} : memref<65536xf32, #tpu.memory_space<vmem>>, vector<16xf32>,
      tpu.vector_store %arg7[%swap3A_298], %gather3A_48 {strides = array<i32>} : memref<65536xf32, #tpu.memory_space<vmem>>, vector<16xf32>,
      %add3A_300 = arith.constant 256 : i32
      %add3A_301 = arith.addi %mul3A_204, %add3A_300 : i32
      %add3A_302 = arith.constant 0 : i32
      %add3A_303 = arith.addi %add3A_301, %add3A_302 : i32
      %swap3A_304 = arith.index_cast %add3A_303 : i32 to index
      %swap3A_305 = tpu.vector_load %arg7[%swap3A_304] {strides = array<i32>} : memref<65536xf32, #tpu.memory_space<vmem>>, vector<16xf32>,
      tpu.vector_store %arg7[%swap3A_304], %gather3A_20 {strides = array<i32>} : memref<65536xf32, #tpu.memory_space<vmem>>, vector<16xf32>,
      %add3A_306 = arith.constant 256 : i32
      %add3A_307 = arith.addi %mul3A_204, %add3A_306 : i32
      %add3A_308 = arith.constant 16 : i32
      %add3A_309 = arith.addi %add3A_307, %add3A_308 : i32
      %swap3A_310 = arith.index_cast %add3A_309 : i32 to index
      %swap3A_311 = tpu.vector_load %arg7[%swap3A_310] {strides = array<i32>} : memref<65536xf32, #tpu.memory_space<vmem>>, vector<16xf32>,
      tpu.vector_store %arg7[%swap3A_310], %gather3A_24 {strides = array<i32>} : memref<65536xf32, #tpu.memory_space<vmem>>, vector<16xf32>,
      %add3A_312 = arith.constant 256 : i32
      %add3A_313 = arith.addi %mul3A_204, %add3A_312 : i32
      %add3A_314 = arith.constant 32 : i32
      %add3A_315 = arith.addi %add3A_313, %add3A_314 : i32
      %swap3A_316 = arith.index_cast %add3A_315 : i32 to index
      %swap3A_317 = tpu.vector_load %arg7[%swap3A_316] {strides = array<i32>} : memref<65536xf32, #tpu.memory_space<vmem>>, vector<16xf32>,
      tpu.vector_store %arg7[%swap3A_316], %gather3A_28 {strides = array<i32>} : memref<65536xf32, #tpu.memory_space<vmem>>, vector<16xf32>,
      %add3A_318 = arith.constant 256 : i32
      %add3A_319 = arith.addi %mul3A_204, %add3A_318 : i32
      %add3A_320 = arith.constant 48 : i32
      %add3A_321 = arith.addi %add3A_319, %add3A_320 : i32
      %swap3A_322 = arith.index_cast %add3A_321 : i32 to index
      %swap3A_323 = tpu.vector_load %arg7[%swap3A_322] {strides = array<i32>} : memref<65536xf32, #tpu.memory_space<vmem>>, vector<16xf32>,
      tpu.vector_store %arg7[%swap3A_322], %gather3A_32 {strides = array<i32>} : memref<65536xf32, #tpu.memory_space<vmem>>, vector<16xf32>,
      %add3A_324 = arith.constant 256 : i32
      %add3A_325 = arith.addi %mul3A_204, %add3A_324 : i32
      %add3A_326 = arith.constant 64 : i32
      %add3A_327 = arith.addi %add3A_325, %add3A_326 : i32
      %swap3A_328 = arith.index_cast %add3A_327 : i32 to index
      %swap3A_329 = tpu.vector_load %arg7[%swap3A_328] {strides = array<i32>} : memref<65536xf32, #tpu.memory_space<vmem>>, vector<16xf32>,
      tpu.vector_store %arg7[%swap3A_328], %gather3A_36 {strides = array<i32>} : memref<65536xf32, #tpu.memory_space<vmem>>, vector<16xf32>,
      %add3A_330 = arith.constant 256 : i32
      %add3A_331 = arith.addi %mul3A_204, %add3A_330 : i32
      %add3A_332 = arith.constant 80 : i32
      %add3A_333 = arith.addi %add3A_331, %add3A_332 : i32
      %swap3A_334 = arith.index_cast %add3A_333 : i32 to index
      %swap3A_335 = tpu.vector_load %arg7[%swap3A_334] {strides = array<i32>} : memref<65536xf32, #tpu.memory_space<vmem>>, vector<16xf32>,
      tpu.vector_store %arg7[%swap3A_334], %gather3A_40 {strides = array<i32>} : memref<65536xf32, #tpu.memory_space<vmem>>, vector<16xf32>,
      %add3A_336 = arith.constant 256 : i32
      %add3A_337 = arith.addi %mul3A_204, %add3A_336 : i32
      %add3A_338 = arith.constant 96 : i32
      %add3A_339 = arith.addi %add3A_337, %add3A_338 : i32
      %swap3A_340 = arith.index_cast %add3A_339 : i32 to index
      %swap3A_341 = tpu.vector_load %arg7[%swap3A_340] {strides = array<i32>} : memref<65536xf32, #tpu.memory_space<vmem>>, vector<16xf32>,
      tpu.vector_store %arg7[%swap3A_340], %gather3A_44 {strides = array<i32>} : memref<65536xf32, #tpu.memory_space<vmem>>, vector<16xf32>,
      %add3A_342 = arith.constant 256 : i32
      %add3A_343 = arith.addi %mul3A_204, %add3A_342 : i32
      %add3A_344 = arith.constant 112 : i32
      %add3A_345 = arith.addi %add3A_343, %add3A_344 : i32
      %swap3A_346 = arith.index_cast %add3A_345 : i32 to index
      %swap3A_347 = tpu.vector_load %arg7[%swap3A_346] {strides = array<i32>} : memref<65536xf32, #tpu.memory_space<vmem>>, vector<16xf32>,
      tpu.vector_store %arg7[%swap3A_346], %gather3A_48 {strides = array<i32>} : memref<65536xf32, #tpu.memory_space<vmem>>, vector<16xf32>,
      %add3A_348 = arith.constant 384 : i32
      %add3A_349 = arith.addi %mul3A_204, %add3A_348 : i32
      %add3A_350 = arith.constant 0 : i32
      %add3A_351 = arith.addi %add3A_349, %add3A_350 : i32
      %swap3A_352 = arith.index_cast %add3A_351 : i32 to index
      %swap3A_353 = tpu.vector_load %arg7[%swap3A_352] {strides = array<i32>} : memref<65536xf32, #tpu.memory_space<vmem>>, vector<16xf32>,
      tpu.vector_store %arg7[%swap3A_352], %gather3A_20 {strides = array<i32>} : memref<65536xf32, #tpu.memory_space<vmem>>, vector<16xf32>,
      %add3A_354 = arith.constant 384 : i32
      %add3A_355 = arith.addi %mul3A_204, %add3A_354 : i32
      %add3A_356 = arith.constant 16 : i32
      %add3A_357 = arith.addi %add3A_355, %add3A_356 : i32
      %swap3A_358 = arith.index_cast %add3A_357 : i32 to index
      %swap3A_359 = tpu.vector_load %arg7[%swap3A_358] {strides = array<i32>} : memref<65536xf32, #tpu.memory_space<vmem>>, vector<16xf32>,
      tpu.vector_store %arg7[%swap3A_358], %gather3A_24 {strides = array<i32>} : memref<65536xf32, #tpu.memory_space<vmem>>, vector<16xf32>,
      %add3A_360 = arith.constant 384 : i32
      %add3A_361 = arith.addi %mul3A_204, %add3A_360 : i32
      %add3A_362 = arith.constant 32 : i32
      %add3A_363 = arith.addi %add3A_361, %add3A_362 : i32
      %swap3A_364 = arith.index_cast %add3A_363 : i32 to index
      %swap3A_365 = tpu.vector_load %arg7[%swap3A_364] {strides = array<i32>} : memref<65536xf32, #tpu.memory_space<vmem>>, vector<16xf32>,
      tpu.vector_store %arg7[%swap3A_364], %gather3A_28 {strides = array<i32>} : memref<65536xf32, #tpu.memory_space<vmem>>, vector<16xf32>,
      %add3A_366 = arith.constant 384 : i32
      %add3A_367 = arith.addi %mul3A_204, %add3A_366 : i32
      %add3A_368 = arith.constant 48 : i32
      %add3A_369 = arith.addi %add3A_367, %add3A_368 : i32
      %swap3A_370 = arith.index_cast %add3A_369 : i32 to index
      %swap3A_371 = tpu.vector_load %arg7[%swap3A_370] {strides = array<i32>} : memref<65536xf32, #tpu.memory_space<vmem>>, vector<16xf32>,
      tpu.vector_store %arg7[%swap3A_370], %gather3A_32 {strides = array<i32>} : memref<65536xf32, #tpu.memory_space<vmem>>, vector<16xf32>,
      %add3A_372 = arith.constant 384 : i32
      %add3A_373 = arith.addi %mul3A_204, %add3A_372 : i32
      %add3A_374 = arith.constant 64 : i32
      %add3A_375 = arith.addi %add3A_373, %add3A_374 : i32
      %swap3A_376 = arith.index_cast %add3A_375 : i32 to index
      %swap3A_377 = tpu.vector_load %arg7[%swap3A_376] {strides = array<i32>} : memref<65536xf32, #tpu.memory_space<vmem>>, vector<16xf32>,
      tpu.vector_store %arg7[%swap3A_376], %gather3A_36 {strides = array<i32>} : memref<65536xf32, #tpu.memory_space<vmem>>, vector<16xf32>,
      %add3A_378 = arith.constant 384 : i32
      %add3A_379 = arith.addi %mul3A_204, %add3A_378 : i32
      %add3A_380 = arith.constant 80 : i32
      %add3A_381 = arith.addi %add3A_379, %add3A_380 : i32
      %swap3A_382 = arith.index_cast %add3A_381 : i32 to index
      %swap3A_383 = tpu.vector_load %arg7[%swap3A_382] {strides = array<i32>} : memref<65536xf32, #tpu.memory_space<vmem>>, vector<16xf32>,
      tpu.vector_store %arg7[%swap3A_382], %gather3A_40 {strides = array<i32>} : memref<65536xf32, #tpu.memory_space<vmem>>, vector<16xf32>,
      %add3A_384 = arith.constant 384 : i32
      %add3A_385 = arith.addi %mul3A_204, %add3A_384 : i32
      %add3A_386 = arith.constant 96 : i32
      %add3A_387 = arith.addi %add3A_385, %add3A_386 : i32
      %swap3A_388 = arith.index_cast %add3A_387 : i32 to index
      %swap3A_389 = tpu.vector_load %arg7[%swap3A_388] {strides = array<i32>} : memref<65536xf32, #tpu.memory_space<vmem>>, vector<16xf32>,
      tpu.vector_store %arg7[%swap3A_388], %gather3A_44 {strides = array<i32>} : memref<65536xf32, #tpu.memory_space<vmem>>, vector<16xf32>,
      %add3A_390 = arith.constant 384 : i32
      %add3A_391 = arith.addi %mul3A_204, %add3A_390 : i32
      %add3A_392 = arith.constant 112 : i32
      %add3A_393 = arith.addi %add3A_391, %add3A_392 : i32
      %swap3A_394 = arith.index_cast %add3A_393 : i32 to index
      %swap3A_395 = tpu.vector_load %arg7[%swap3A_394] {strides = array<i32>} : memref<65536xf32, #tpu.memory_space<vmem>>, vector<16xf32>,
      tpu.vector_store %arg7[%swap3A_394], %gather3A_48 {strides = array<i32>} : memref<65536xf32, #tpu.memory_space<vmem>>, vector<16xf32>,
      %scan3A_396 = arith.constant 0 : i32
      scf.yield %scan3A_396 : i32
    }
    %scan3A_85 = arith.constant 96 : i32
    %add3A_86 = arith.constant 16384 : i32
    %add3A_87 = arith.addi %mul3A_50, %add3A_86 : i32
    %dma_start3A_88 = arith.constant 16384 : i32
    %dma_start3A_89 = tpu.memref_slice %arg7[%dma_start3A_88] : memref<65536xf32, #tpu.memory_space<vmem>> -> memref<49152xf32, #tpu.memory_space<vmem>>
    %dma_start3A_90 = tpu.memref_slice %arg4[%add3A_87] : memref<33554432xf32, #tpu.memory_space<hbm>> -> memref<49152xf32, #tpu.memory_space<hbm>>
    %dma_start3A_91 = tpu.memref_slice %arg4[%add3A_87] : memref<33554432xf32, #tpu.memory_space<hbm>> -> memref<49152xf32, #tpu.memory_space<hbm>>
    %dma_start3A_92 = arith.constant 16384 : i32
    %dma_start3A_93 = tpu.memref_slice %arg7[%dma_start3A_92] : memref<65536xf32, #tpu.memory_space<vmem>> -> memref<49152xf32, #tpu.memory_space<vmem>>
    tpu.enqueue_dma source(%dma_start3A_93 : memref<49152xf32, #tpu.memory_space<vmem>>) target(%dma_start3A_91 : memref<49152xf32, #tpu.memory_space<hbm>>) target_semaphore(%arg9 : memref<!tpu.dma_semaphore, #tpu.memory_space<semaphore_mem>>)
    %add3A_94 = arith.constant 65536 : i32
    %add3A_95 = arith.addi %mul3A_50, %add3A_94 : i32
    %dma_start3A_96 = tpu.memref_slice %arg4[%add3A_95] : memref<33554432xf32, #tpu.memory_space<hbm>> -> memref<65536xf32, #tpu.memory_space<hbm>>
    %dma_start3A_97 = tpu.memref_slice %arg4[%add3A_95] : memref<33554432xf32, #tpu.memory_space<hbm>> -> memref<65536xf32, #tpu.memory_space<hbm>>
    tpu.enqueue_dma source(%arg7 : memref<65536xf32, #tpu.memory_space<vmem>>) target(%dma_start3A_97 : memref<65536xf32, #tpu.memory_space<hbm>>) target_semaphore(%arg9 : memref<!tpu.dma_semaphore, #tpu.memory_space<semaphore_mem>>)
    %add3A_98 = arith.constant 131072 : i32
    %add3A_99 = arith.addi %mul3A_50, %add3A_98 : i32
    %dma_start3A_100 = tpu.memref_slice %arg4[%add3A_99] : memref<33554432xf32, #tpu.memory_space<hbm>> -> memref<65536xf32, #tpu.memory_space<hbm>>
    %dma_start3A_101 = tpu.memref_slice %arg4[%add3A_99] : memref<33554432xf32, #tpu.memory_space<hbm>> -> memref<65536xf32, #tpu.memory_space<hbm>>
    tpu.enqueue_dma source(%arg7 : memref<65536xf32, #tpu.memory_space<vmem>>) target(%dma_start3A_101 : memref<65536xf32, #tpu.memory_space<hbm>>) target_semaphore(%arg9 : memref<!tpu.dma_semaphore, #tpu.memory_space<semaphore_mem>>)
    %add3A_102 = arith.constant 196608 : i32
    %add3A_103 = arith.addi %mul3A_50, %add3A_102 : i32
    %dma_start3A_104 = tpu.memref_slice %arg4[%add3A_103] : memref<33554432xf32, #tpu.memory_space<hbm>> -> memref<65536xf32, #tpu.memory_space<hbm>>
    %dma_start3A_105 = tpu.memref_slice %arg4[%add3A_103] : memref<33554432xf32, #tpu.memory_space<hbm>> -> memref<65536xf32, #tpu.memory_space<hbm>>
    tpu.enqueue_dma source(%arg7 : memref<65536xf32, #tpu.memory_space<vmem>>) target(%dma_start3A_105 : memref<65536xf32, #tpu.memory_space<hbm>>) target_semaphore(%arg9 : memref<!tpu.dma_semaphore, #tpu.memory_space<semaphore_mem>>)
    %add3A_106 = arith.constant 262144 : i32
    %add3A_107 = arith.addi %mul3A_50, %add3A_106 : i32
    %dma_start3A_108 = tpu.memref_slice %arg4[%add3A_107] : memref<33554432xf32, #tpu.memory_space<hbm>> -> memref<65536xf32, #tpu.memory_space<hbm>>
    %dma_start3A_109 = tpu.memref_slice %arg4[%add3A_107] : memref<33554432xf32, #tpu.memory_space<hbm>> -> memref<65536xf32, #tpu.memory_space<hbm>>
    tpu.enqueue_dma source(%arg7 : memref<65536xf32, #tpu.memory_space<vmem>>) target(%dma_start3A_109 : memref<65536xf32, #tpu.memory_space<hbm>>) target_semaphore(%arg9 : memref<!tpu.dma_semaphore, #tpu.memory_space<semaphore_mem>>)
    %add3A_110 = arith.constant 327680 : i32
    %add3A_111 = arith.addi %mul3A_50, %add3A_110 : i32
    %dma_start3A_112 = tpu.memref_slice %arg4[%add3A_111] : memref<33554432xf32, #tpu.memory_space<hbm>> -> memref<65536xf32, #tpu.memory_space<hbm>>
    %dma_start3A_113 = tpu.memref_slice %arg4[%add3A_111] : memref<33554432xf32, #tpu.memory_space<hbm>> -> memref<65536xf32, #tpu.memory_space<hbm>>
    tpu.enqueue_dma source(%arg7 : memref<65536xf32, #tpu.memory_space<vmem>>) target(%dma_start3A_113 : memref<65536xf32, #tpu.memory_space<hbm>>) target_semaphore(%arg9 : memref<!tpu.dma_semaphore, #tpu.memory_space<semaphore_mem>>)
    %add3A_114 = arith.constant 393216 : i32
    %add3A_115 = arith.addi %mul3A_50, %add3A_114 : i32
    %dma_start3A_116 = tpu.memref_slice %arg4[%add3A_115] : memref<33554432xf32, #tpu.memory_space<hbm>> -> memref<65536xf32, #tpu.memory_space<hbm>>
    %dma_start3A_117 = tpu.memref_slice %arg4[%add3A_115] : memref<33554432xf32, #tpu.memory_space<hbm>> -> memref<65536xf32, #tpu.memory_space<hbm>>
    tpu.enqueue_dma source(%arg7 : memref<65536xf32, #tpu.memory_space<vmem>>) target(%dma_start3A_117 : memref<65536xf32, #tpu.memory_space<hbm>>) target_semaphore(%arg9 : memref<!tpu.dma_semaphore, #tpu.memory_space<semaphore_mem>>)
    %add3A_118 = arith.constant 458752 : i32
    %add3A_119 = arith.addi %mul3A_50, %add3A_118 : i32
    %dma_start3A_120 = tpu.memref_slice %arg4[%add3A_119] : memref<33554432xf32, #tpu.memory_space<hbm>> -> memref<65536xf32, #tpu.memory_space<hbm>>
    %dma_start3A_121 = tpu.memref_slice %arg4[%add3A_119] : memref<33554432xf32, #tpu.memory_space<hbm>> -> memref<65536xf32, #tpu.memory_space<hbm>>
    tpu.enqueue_dma source(%arg7 : memref<65536xf32, #tpu.memory_space<vmem>>) target(%dma_start3A_121 : memref<65536xf32, #tpu.memory_space<hbm>>) target_semaphore(%arg9 : memref<!tpu.dma_semaphore, #tpu.memory_space<semaphore_mem>>)
    %add3A_122 = arith.constant 524288 : i32
    %add3A_123 = arith.addi %mul3A_50, %add3A_122 : i32
    %dma_start3A_124 = tpu.memref_slice %arg4[%add3A_123] : memref<33554432xf32, #tpu.memory_space<hbm>> -> memref<65536xf32, #tpu.memory_space<hbm>>
    %dma_start3A_125 = tpu.memref_slice %arg4[%add3A_123] : memref<33554432xf32, #tpu.memory_space<hbm>> -> memref<65536xf32, #tpu.memory_space<hbm>>
    tpu.enqueue_dma source(%arg7 : memref<65536xf32, #tpu.memory_space<vmem>>) target(%dma_start3A_125 : memref<65536xf32, #tpu.memory_space<hbm>>) target_semaphore(%arg9 : memref<!tpu.dma_semaphore, #tpu.memory_space<semaphore_mem>>)
    %add3A_126 = arith.constant 589824 : i32
    %add3A_127 = arith.addi %mul3A_50, %add3A_126 : i32
    %dma_start3A_128 = tpu.memref_slice %arg4[%add3A_127] : memref<33554432xf32, #tpu.memory_space<hbm>> -> memref<65536xf32, #tpu.memory_space<hbm>>
    %dma_start3A_129 = tpu.memref_slice %arg4[%add3A_127] : memref<33554432xf32, #tpu.memory_space<hbm>> -> memref<65536xf32, #tpu.memory_space<hbm>>
    tpu.enqueue_dma source(%arg7 : memref<65536xf32, #tpu.memory_space<vmem>>) target(%dma_start3A_129 : memref<65536xf32, #tpu.memory_space<hbm>>) target_semaphore(%arg9 : memref<!tpu.dma_semaphore, #tpu.memory_space<semaphore_mem>>)
    %add3A_130 = arith.constant 655360 : i32
    %add3A_131 = arith.addi %mul3A_50, %add3A_130 : i32
    %dma_start3A_132 = tpu.memref_slice %arg4[%add3A_131] : memref<33554432xf32, #tpu.memory_space<hbm>> -> memref<65536xf32, #tpu.memory_space<hbm>>
    %dma_start3A_133 = tpu.memref_slice %arg4[%add3A_131] : memref<33554432xf32, #tpu.memory_space<hbm>> -> memref<65536xf32, #tpu.memory_space<hbm>>
    tpu.enqueue_dma source(%arg7 : memref<65536xf32, #tpu.memory_space<vmem>>) target(%dma_start3A_133 : memref<65536xf32, #tpu.memory_space<hbm>>) target_semaphore(%arg9 : memref<!tpu.dma_semaphore, #tpu.memory_space<semaphore_mem>>)
    %add3A_134 = arith.constant 720896 : i32
    %add3A_135 = arith.addi %mul3A_50, %add3A_134 : i32
    %dma_start3A_136 = tpu.memref_slice %arg4[%add3A_135] : memref<33554432xf32, #tpu.memory_space<hbm>> -> memref<65536xf32, #tpu.memory_space<hbm>>
    %dma_start3A_137 = tpu.memref_slice %arg4[%add3A_135] : memref<33554432xf32, #tpu.memory_space<hbm>> -> memref<65536xf32, #tpu.memory_space<hbm>>
    tpu.enqueue_dma source(%arg7 : memref<65536xf32, #tpu.memory_space<vmem>>) target(%dma_start3A_137 : memref<65536xf32, #tpu.memory_space<hbm>>) target_semaphore(%arg9 : memref<!tpu.dma_semaphore, #tpu.memory_space<semaphore_mem>>)
    %add3A_138 = arith.constant 786432 : i32
    %add3A_139 = arith.addi %mul3A_50, %add3A_138 : i32
    %dma_start3A_140 = tpu.memref_slice %arg4[%add3A_139] : memref<33554432xf32, #tpu.memory_space<hbm>> -> memref<65536xf32, #tpu.memory_space<hbm>>
    %dma_start3A_141 = tpu.memref_slice %arg4[%add3A_139] : memref<33554432xf32, #tpu.memory_space<hbm>> -> memref<65536xf32, #tpu.memory_space<hbm>>
    tpu.enqueue_dma source(%arg7 : memref<65536xf32, #tpu.memory_space<vmem>>) target(%dma_start3A_141 : memref<65536xf32, #tpu.memory_space<hbm>>) target_semaphore(%arg9 : memref<!tpu.dma_semaphore, #tpu.memory_space<semaphore_mem>>)
    %add3A_142 = arith.constant 851968 : i32
    %add3A_143 = arith.addi %mul3A_50, %add3A_142 : i32
    %dma_start3A_144 = tpu.memref_slice %arg4[%add3A_143] : memref<33554432xf32, #tpu.memory_space<hbm>> -> memref<65536xf32, #tpu.memory_space<hbm>>
    %dma_start3A_145 = tpu.memref_slice %arg4[%add3A_143] : memref<33554432xf32, #tpu.memory_space<hbm>> -> memref<65536xf32, #tpu.memory_space<hbm>>
    tpu.enqueue_dma source(%arg7 : memref<65536xf32, #tpu.memory_space<vmem>>) target(%dma_start3A_145 : memref<65536xf32, #tpu.memory_space<hbm>>) target_semaphore(%arg9 : memref<!tpu.dma_semaphore, #tpu.memory_space<semaphore_mem>>)
    %add3A_146 = arith.constant 917504 : i32
    %add3A_147 = arith.addi %mul3A_50, %add3A_146 : i32
    %dma_start3A_148 = tpu.memref_slice %arg4[%add3A_147] : memref<33554432xf32, #tpu.memory_space<hbm>> -> memref<65536xf32, #tpu.memory_space<hbm>>
    %dma_start3A_149 = tpu.memref_slice %arg4[%add3A_147] : memref<33554432xf32, #tpu.memory_space<hbm>> -> memref<65536xf32, #tpu.memory_space<hbm>>
    tpu.enqueue_dma source(%arg7 : memref<65536xf32, #tpu.memory_space<vmem>>) target(%dma_start3A_149 : memref<65536xf32, #tpu.memory_space<hbm>>) target_semaphore(%arg9 : memref<!tpu.dma_semaphore, #tpu.memory_space<semaphore_mem>>)
    %add3A_150 = arith.constant 983040 : i32
    %add3A_151 = arith.addi %mul3A_50, %add3A_150 : i32
    %dma_start3A_152 = tpu.memref_slice %arg4[%add3A_151] : memref<33554432xf32, #tpu.memory_space<hbm>> -> memref<65536xf32, #tpu.memory_space<hbm>>
    %dma_start3A_153 = tpu.memref_slice %arg4[%add3A_151] : memref<33554432xf32, #tpu.memory_space<hbm>> -> memref<65536xf32, #tpu.memory_space<hbm>>
    tpu.enqueue_dma source(%arg7 : memref<65536xf32, #tpu.memory_space<vmem>>) target(%dma_start3A_153 : memref<65536xf32, #tpu.memory_space<hbm>>) target_semaphore(%arg9 : memref<!tpu.dma_semaphore, #tpu.memory_space<semaphore_mem>>)
    %dma_wait3A = arith.constant 0 : i32
    %dma_wait3A_154 = tpu.memref_slice %arg7[%dma_wait3A] : memref<65536xf32, #tpu.memory_space<vmem>> -> memref<4096xf32, #tpu.memory_space<vmem>>
    %dma_wait3A_155 = tpu.memref_slice %arg4[%add3A_58] : memref<33554432xf32, #tpu.memory_space<hbm>> -> memref<4096xf32, #tpu.memory_space<hbm>>
    %dma_wait3A_156 = tpu.memref_slice %arg4[%add3A_58] : memref<33554432xf32, #tpu.memory_space<hbm>> -> memref<4096xf32, #tpu.memory_space<hbm>>
    %dma_wait3A_157 = arith.constant 0 : i32
    %dma_wait3A_158 = tpu.memref_slice %arg7[%dma_wait3A_157] : memref<65536xf32, #tpu.memory_space<vmem>> -> memref<4096xf32, #tpu.memory_space<vmem>>
    tpu.wait_dma2 semaphore(%arg9 : memref<!tpu.dma_semaphore, #tpu.memory_space<semaphore_mem>>) src(%dma_wait3A_158 : memref<4096xf32, #tpu.memory_space<vmem>>) dst(%dma_wait3A_156 : memref<4096xf32, #tpu.memory_space<hbm>>)
    %dma_wait3A_159 = arith.constant 4096 : i32
    %dma_wait3A_160 = tpu.memref_slice %arg7[%dma_wait3A_159] : memref<65536xf32, #tpu.memory_space<vmem>> -> memref<12288xf32, #tpu.memory_space<vmem>>
    %dma_wait3A_161 = tpu.memref_slice %arg4[%add3A_72] : memref<33554432xf32, #tpu.memory_space<hbm>> -> memref<12288xf32, #tpu.memory_space<hbm>>
    %dma_wait3A_162 = tpu.memref_slice %arg4[%add3A_72] : memref<33554432xf32, #tpu.memory_space<hbm>> -> memref<12288xf32, #tpu.memory_space<hbm>>
    %dma_wait3A_163 = arith.constant 4096 : i32
    %dma_wait3A_164 = tpu.memref_slice %arg7[%dma_wait3A_163] : memref<65536xf32, #tpu.memory_space<vmem>> -> memref<12288xf32, #tpu.memory_space<vmem>>
    tpu.wait_dma2 semaphore(%arg9 : memref<!tpu.dma_semaphore, #tpu.memory_space<semaphore_mem>>) src(%dma_wait3A_164 : memref<12288xf32, #tpu.memory_space<vmem>>) dst(%dma_wait3A_162 : memref<12288xf32, #tpu.memory_space<hbm>>)
    %dma_wait3A_165 = arith.constant 16384 : i32
    %dma_wait3A_166 = tpu.memref_slice %arg7[%dma_wait3A_165] : memref<65536xf32, #tpu.memory_space<vmem>> -> memref<49152xf32, #tpu.memory_space<vmem>>
    %dma_wait3A_167 = tpu.memref_slice %arg4[%add3A_87] : memref<33554432xf32, #tpu.memory_space<hbm>> -> memref<49152xf32, #tpu.memory_space<hbm>>
    %dma_wait3A_168 = tpu.memref_slice %arg4[%add3A_87] : memref<33554432xf32, #tpu.memory_space<hbm>> -> memref<49152xf32, #tpu.memory_space<hbm>>
    %dma_wait3A_169 = arith.constant 16384 : i32
    %dma_wait3A_170 = tpu.memref_slice %arg7[%dma_wait3A_169] : memref<65536xf32, #tpu.memory_space<vmem>> -> memref<49152xf32, #tpu.memory_space<vmem>>
    tpu.wait_dma2 semaphore(%arg9 : memref<!tpu.dma_semaphore, #tpu.memory_space<semaphore_mem>>) src(%dma_wait3A_170 : memref<49152xf32, #tpu.memory_space<vmem>>) dst(%dma_wait3A_168 : memref<49152xf32, #tpu.memory_space<hbm>>)
    %dma_wait3A_171 = tpu.memref_slice %arg4[%add3A_95] : memref<33554432xf32, #tpu.memory_space<hbm>> -> memref<65536xf32, #tpu.memory_space<hbm>>
    %dma_wait3A_172 = tpu.memref_slice %arg4[%add3A_95] : memref<33554432xf32, #tpu.memory_space<hbm>> -> memref<65536xf32, #tpu.memory_space<hbm>>
    tpu.wait_dma2 semaphore(%arg9 : memref<!tpu.dma_semaphore, #tpu.memory_space<semaphore_mem>>) src(%arg7 : memref<65536xf32, #tpu.memory_space<vmem>>) dst(%dma_wait3A_172 : memref<65536xf32, #tpu.memory_space<hbm>>)
    %dma_wait3A_173 = tpu.memref_slice %arg4[%add3A_99] : memref<33554432xf32, #tpu.memory_space<hbm>> -> memref<65536xf32, #tpu.memory_space<hbm>>
    %dma_wait3A_174 = tpu.memref_slice %arg4[%add3A_99] : memref<33554432xf32, #tpu.memory_space<hbm>> -> memref<65536xf32, #tpu.memory_space<hbm>>
    tpu.wait_dma2 semaphore(%arg9 : memref<!tpu.dma_semaphore, #tpu.memory_space<semaphore_mem>>) src(%arg7 : memref<65536xf32, #tpu.memory_space<vmem>>) dst(%dma_wait3A_174 : memref<65536xf32, #tpu.memory_space<hbm>>)
    %dma_wait3A_175 = tpu.memref_slice %arg4[%add3A_103] : memref<33554432xf32, #tpu.memory_space<hbm>> -> memref<65536xf32, #tpu.memory_space<hbm>>
    %dma_wait3A_176 = tpu.memref_slice %arg4[%add3A_103] : memref<33554432xf32, #tpu.memory_space<hbm>> -> memref<65536xf32, #tpu.memory_space<hbm>>
    tpu.wait_dma2 semaphore(%arg9 : memref<!tpu.dma_semaphore, #tpu.memory_space<semaphore_mem>>) src(%arg7 : memref<65536xf32, #tpu.memory_space<vmem>>) dst(%dma_wait3A_176 : memref<65536xf32, #tpu.memory_space<hbm>>)
    %dma_wait3A_177 = tpu.memref_slice %arg4[%add3A_107] : memref<33554432xf32, #tpu.memory_space<hbm>> -> memref<65536xf32, #tpu.memory_space<hbm>>
    %dma_wait3A_178 = tpu.memref_slice %arg4[%add3A_107] : memref<33554432xf32, #tpu.memory_space<hbm>> -> memref<65536xf32, #tpu.memory_space<hbm>>
    tpu.wait_dma2 semaphore(%arg9 : memref<!tpu.dma_semaphore, #tpu.memory_space<semaphore_mem>>) src(%arg7 : memref<65536xf32, #tpu.memory_space<vmem>>) dst(%dma_wait3A_178 : memref<65536xf32, #tpu.memory_space<hbm>>)
    %dma_wait3A_179 = tpu.memref_slice %arg4[%add3A_111] : memref<33554432xf32, #tpu.memory_space<hbm>> -> memref<65536xf32, #tpu.memory_space<hbm>>
    %dma_wait3A_180 = tpu.memref_slice %arg4[%add3A_111] : memref<33554432xf32, #tpu.memory_space<hbm>> -> memref<65536xf32, #tpu.memory_space<hbm>>
    tpu.wait_dma2 semaphore(%arg9 : memref<!tpu.dma_semaphore, #tpu.memory_space<semaphore_mem>>) src(%arg7 : memref<65536xf32, #tpu.memory_space<vmem>>) dst(%dma_wait3A_180 : memref<65536xf32, #tpu.memory_space<hbm>>)
    %dma_wait3A_181 = tpu.memref_slice %arg4[%add3A_115] : memref<33554432xf32, #tpu.memory_space<hbm>> -> memref<65536xf32, #tpu.memory_space<hbm>>
    %dma_wait3A_182 = tpu.memref_slice %arg4[%add3A_115] : memref<33554432xf32, #tpu.memory_space<hbm>> -> memref<65536xf32, #tpu.memory_space<hbm>>
    tpu.wait_dma2 semaphore(%arg9 : memref<!tpu.dma_semaphore, #tpu.memory_space<semaphore_mem>>) src(%arg7 : memref<65536xf32, #tpu.memory_space<vmem>>) dst(%dma_wait3A_182 : memref<65536xf32, #tpu.memory_space<hbm>>)
    %dma_wait3A_183 = tpu.memref_slice %arg4[%add3A_119] : memref<33554432xf32, #tpu.memory_space<hbm>> -> memref<65536xf32, #tpu.memory_space<hbm>>
    %dma_wait3A_184 = tpu.memref_slice %arg4[%add3A_119] : memref<33554432xf32, #tpu.memory_space<hbm>> -> memref<65536xf32, #tpu.memory_space<hbm>>
    tpu.wait_dma2 semaphore(%arg9 : memref<!tpu.dma_semaphore, #tpu.memory_space<semaphore_mem>>) src(%arg7 : memref<65536xf32, #tpu.memory_space<vmem>>) dst(%dma_wait3A_184 : memref<65536xf32, #tpu.memory_space<hbm>>)
    %dma_wait3A_185 = tpu.memref_slice %arg4[%add3A_123] : memref<33554432xf32, #tpu.memory_space<hbm>> -> memref<65536xf32, #tpu.memory_space<hbm>>
    %dma_wait3A_186 = tpu.memref_slice %arg4[%add3A_123] : memref<33554432xf32, #tpu.memory_space<hbm>> -> memref<65536xf32, #tpu.memory_space<hbm>>
    tpu.wait_dma2 semaphore(%arg9 : memref<!tpu.dma_semaphore, #tpu.memory_space<semaphore_mem>>) src(%arg7 : memref<65536xf32, #tpu.memory_space<vmem>>) dst(%dma_wait3A_186 : memref<65536xf32, #tpu.memory_space<hbm>>)
    %dma_wait3A_187 = tpu.memref_slice %arg4[%add3A_127] : memref<33554432xf32, #tpu.memory_space<hbm>> -> memref<65536xf32, #tpu.memory_space<hbm>>
    %dma_wait3A_188 = tpu.memref_slice %arg4[%add3A_127] : memref<33554432xf32, #tpu.memory_space<hbm>> -> memref<65536xf32, #tpu.memory_space<hbm>>
    tpu.wait_dma2 semaphore(%arg9 : memref<!tpu.dma_semaphore, #tpu.memory_space<semaphore_mem>>) src(%arg7 : memref<65536xf32, #tpu.memory_space<vmem>>) dst(%dma_wait3A_188 : memref<65536xf32, #tpu.memory_space<hbm>>)
    %dma_wait3A_189 = tpu.memref_slice %arg4[%add3A_131] : memref<33554432xf32, #tpu.memory_space<hbm>> -> memref<65536xf32, #tpu.memory_space<hbm>>
    %dma_wait3A_190 = tpu.memref_slice %arg4[%add3A_131] : memref<33554432xf32, #tpu.memory_space<hbm>> -> memref<65536xf32, #tpu.memory_space<hbm>>
    tpu.wait_dma2 semaphore(%arg9 : memref<!tpu.dma_semaphore, #tpu.memory_space<semaphore_mem>>) src(%arg7 : memref<65536xf32, #tpu.memory_space<vmem>>) dst(%dma_wait3A_190 : memref<65536xf32, #tpu.memory_space<hbm>>)
    %dma_wait3A_191 = tpu.memref_slice %arg4[%add3A_135] : memref<33554432xf32, #tpu.memory_space<hbm>> -> memref<65536xf32, #tpu.memory_space<hbm>>
    %dma_wait3A_192 = tpu.memref_slice %arg4[%add3A_135] : memref<33554432xf32, #tpu.memory_space<hbm>> -> memref<65536xf32, #tpu.memory_space<hbm>>
    tpu.wait_dma2 semaphore(%arg9 : memref<!tpu.dma_semaphore, #tpu.memory_space<semaphore_mem>>) src(%arg7 : memref<65536xf32, #tpu.memory_space<vmem>>) dst(%dma_wait3A_192 : memref<65536xf32, #tpu.memory_space<hbm>>)
    %dma_wait3A_193 = tpu.memref_slice %arg4[%add3A_139] : memref<33554432xf32, #tpu.memory_space<hbm>> -> memref<65536xf32, #tpu.memory_space<hbm>>
    %dma_wait3A_194 = tpu.memref_slice %arg4[%add3A_139] : memref<33554432xf32, #tpu.memory_space<hbm>> -> memref<65536xf32, #tpu.memory_space<hbm>>
    tpu.wait_dma2 semaphore(%arg9 : memref<!tpu.dma_semaphore, #tpu.memory_space<semaphore_mem>>) src(%arg7 : memref<65536xf32, #tpu.memory_space<vmem>>) dst(%dma_wait3A_194 : memref<65536xf32, #tpu.memory_space<hbm>>)
    %dma_wait3A_195 = tpu.memref_slice %arg4[%add3A_143] : memref<33554432xf32, #tpu.memory_space<hbm>> -> memref<65536xf32, #tpu.memory_space<hbm>>
    %dma_wait3A_196 = tpu.memref_slice %arg4[%add3A_143] : memref<33554432xf32, #tpu.memory_space<hbm>> -> memref<65536xf32, #tpu.memory_space<hbm>>
    tpu.wait_dma2 semaphore(%arg9 : memref<!tpu.dma_semaphore, #tpu.memory_space<semaphore_mem>>) src(%arg7 : memref<65536xf32, #tpu.memory_space<vmem>>) dst(%dma_wait3A_196 : memref<65536xf32, #tpu.memory_space<hbm>>)
    %dma_wait3A_197 = tpu.memref_slice %arg4[%add3A_147] : memref<33554432xf32, #tpu.memory_space<hbm>> -> memref<65536xf32, #tpu.memory_space<hbm>>
    %dma_wait3A_198 = tpu.memref_slice %arg4[%add3A_147] : memref<33554432xf32, #tpu.memory_space<hbm>> -> memref<65536xf32, #tpu.memory_space<hbm>>
    tpu.wait_dma2 semaphore(%arg9 : memref<!tpu.dma_semaphore, #tpu.memory_space<semaphore_mem>>) src(%arg7 : memref<65536xf32, #tpu.memory_space<vmem>>) dst(%dma_wait3A_198 : memref<65536xf32, #tpu.memory_space<hbm>>)
    %dma_wait3A_199 = tpu.memref_slice %arg4[%add3A_151] : memref<33554432xf32, #tpu.memory_space<hbm>> -> memref<65536xf32, #tpu.memory_space<hbm>>
    %dma_wait3A_200 = tpu.memref_slice %arg4[%add3A_151] : memref<33554432xf32, #tpu.memory_space<hbm>> -> memref<65536xf32, #tpu.memory_space<hbm>>
    tpu.wait_dma2 semaphore(%arg9 : memref<!tpu.dma_semaphore, #tpu.memory_space<semaphore_mem>>) src(%arg7 : memref<65536xf32, #tpu.memory_space<vmem>>) dst(%dma_wait3A_200 : memref<65536xf32, #tpu.memory_space<hbm>>)
    return
  }
}

</mosaic_0001>

<sc_bundles>
// kernel: kernel.3.cloned.1.call-start
scs
__scs_entry_jumppad:
0x0: {  	(pc) =	sbr.rel $0x88, $3  }
0x1: {  	(tag) =	ssettag $0x0;
	lr =	simm.s32 $0x1  }
0x2: {  	[smem:$0x3F9F] =	sst lr;
	_ =	strace $0xD0000000  }
0x3: {  	_ = 	snop  }
0x4: {  	_ = 	snop  }
0x5: {  	_ = 	snop  }
0x6: {  	_ = 	snop  }
0x7: {  	_ = 	snop  }
__scs_overlays_trampoline_lowered:
0x8: {  	[smem:$0x3FAE] =	sst s0  }
0x9: {  	[smem:$0x3FAF] =	sst s1  }
0xa: {  	[smem:$0x3FB0] =	sst s2  }
0xb: {  	[smem:$0x3FB1] =	sst s3  }
0xc: {  	[smem:$0x3FB2] =	sst s4  }
0xd: {  	[smem:$0x3FB3] =	sst s5  }
0xe: {  	[smem:$0x3FB4] =	sst s6  }
0xf: {  	[smem:$0x3FB5] =	sst s7  }
0x10: {  	[smem:$0x3FB6] =	sst s8  }
0x11: {  	[smem:$0x3FB7] =	sst s9;
	s0 =	simm.s32 @!p0 $0x0  }
0x12: {  	s1 =	sld [smem:$0x3F9D];
	s0 =	simm.s32 @p0 $0x1  }
0x13: {  	[smem:$0x3FB8] =	sst s0;
	s0 =	simm.s32 @!p1 $0x0  }
0x14: {  	s2 =	sld [smem:$0x3F9C];
	s0 =	simm.s32 @p1 $0x1  }
0x15: {  	[smem:$0x3FB9] =	sst s0;
	s0 =	simm.s32 @!p2 $0x0  }
0x16: {  	s3 =	sld [smem:$0x3FDB];
	s0 =	simm.s32 @p2 $0x1  }
0x17: {  	s4 =	simm.s32 $0x1BF5;
	[smem:$0x3FBB] =	sst s0  }
0x18: {  	s0 =	sld [smem:$0x3F9E];
	_ =	swait.ge [sflag:s4], $0x0  }
0x19: {  	s7 =	sld [smem:$0x3F9F]  }
0x1a: {  	s8 =	sadd.s32 $0xFFFFE003, lr  }
0x1b: {  	s9 =	sadd.s32 $0xFFFFFEF7, lr;
	s5 =	simm.s32 $0xFFFFFFFF;
	p2 =	slt.u32 s8, $0xFFFFF086  }
0x1c: {  	p1 =	slt.u32 s9, $0xF7A;
	s5 =	simm.s32 @!p2 $0x0  }
0x1d: {  	s5 =	simm.s32 @p1 $0x1;
	p0 =	seq.s32 s7, s2  }
0x1e: {  	s7 =	smul.u32 @!p0 $0xF7A, s2;
	p2 =	seq.s32 @!p0 s5, $0x0  }
0x1f: {  	s9 =	smul.u32 $0xF7A, s1;
	s8 =	simm.s32 @!p0 $0x1BF5;
	p2 =	por !p2, p0  }
0x20: {  	[sflag:s8] =	ssyncset.s32 @!p0 $0xFFFFF086;
	s6 =	sadd.s32 @!p0 s3, s7;
	s7 =	simm.s32 @!p0 $0x108  }
0x21: {  	s3 =	sadd.s32 s3, s9;
	s6 =	sadd.s32 @!p0 $0x88, s6;
	s7 =	simm.s32 @p2 $0x1082  }
0x22: {  	[simem:s7], [sflag:s8] =	dma.local @!p0 [hbm:s6], $0xF7A  }
0x23: {  	s9 =	sor.u32 $0xD0000000, s2;
	s6 =	simm.s32 $0x108;
	_ =	swait.ge @!p0 [sflag:s8], $0x0  }
0x24: {  	s3 =	sadd.s32 $0x88, s3;
	s6 =	simm.s32 @!p1 $0x1082;
	[sflag:s4] =	ssyncset.s32 $0xFFFFF086  }
0x25: {  	[simem:s6], [sflag:s4] =	dma.local [hbm:s3], $0xF7A  }
0x26: {  	[smem:$0x3F9F] =	sst s1;
	(tag) =	ssettag s2;
	_ =	strace s9  }
0x27: {  	s1 =	sld [smem:$0x3FAF]  }
0x28: {  	s2 =	sld [smem:$0x3FB0]  }
0x29: {  	s4 =	sld [smem:$0x3FB2]  }
0x2a: {  	p0 =	seq.s32 s5, $0x0;
	s5 =	sld [smem:$0x3FB3]  }
0x2b: {  	s6 =	sld [smem:$0x3FB4]  }
0x2c: {  	s7 =	sld [smem:$0x3FB5]  }
0x2d: {  	s3 =	simm.s32 $0x108;
	s8 =	sld [smem:$0x3FB6]  }
0x2e: {  	s3 =	simm.s32 @!p0 $0x1082;
	s9 =	sld [smem:$0x3FB7]  }
0x2f: {  	lr =	sadd.s32 s0, s3;
	s0 =	sld [smem:$0x3FAE]  }
0x30: {  	s3 =	sld [smem:$0x3FB1]  }
0x31: {  	[smem:$0x3FBA] =	sst s10  }
0x32: {  	s10 =	sld [smem:$0x3FB8];
	_ =	sdelay $0x3  }
0x33: {  	p0 =	seq.s32 s10, $0x1;
	s10 =	sld [smem:$0x3FBA];
	_ =	sdelay $0x3  }
0x34: {  	[smem:$0x3FBA] =	sst s10  }
0x35: {  	s10 =	sld [smem:$0x3FB9];
	_ =	sdelay $0x3  }
0x36: {  	p1 =	seq.s32 s10, $0x1;
	s10 =	sld [smem:$0x3FBA];
	_ =	sdelay $0x3  }
0x37: {  	[smem:$0x3FBA] =	sst s10  }
0x38: {  	s10 =	sld [smem:$0x3FBB]  }
0x39: {  	_ = 	snop;
	(pc) =	sbr.ind lr, $3  }
0x3a: {  	_ = 	snop  }
0x3b: {  	_ = 	snop  }
0x3c: {  	p2 =	seq.s32 s10, $0x1;
	s10 =	sld [smem:$0x3FBA]  }
0x3d: {  	_ =	shalt  }
0x3e: {  	_ =	shalt  }
0x3f: {  	_ =	shalt  }
0x40: {  	_ =	shalt  }
0x41: {  	_ =	shalt  }
0x42: {  	_ =	shalt  }
0x43: {  	_ =	shalt  }
0x44: {  	_ =	shalt  }
0x45: {  	_ =	shalt  }
0x46: {  	_ =	shalt  }
0x47: {  	_ =	shalt  }
0x48: {  	_ =	shalt  }
0x49: {  	_ =	shalt  }
0x4a: {  	_ =	shalt  }
0x4b: {  	_ =	shalt  }
0x4c: {  	_ =	shalt  }
0x4d: {  	_ =	shalt  }
0x4e: {  	_ =	shalt  }
0x4f: {  	_ =	shalt  }
0x50: {  	_ =	shalt  }
0x51: {  	_ =	shalt  }
0x52: {  	_ =	shalt  }
0x53: {  	_ =	shalt  }
0x54: {  	_ =	shalt  }
0x55: {  	_ =	shalt  }
0x56: {  	_ =	shalt  }
0x57: {  	_ =	shalt  }
0x58: {  	_ =	shalt  }
0x59: {  	_ =	shalt  }
0x5a: {  	_ =	shalt  }
0x5b: {  	_ =	shalt  }
0x5c: {  	_ =	shalt  }
0x5d: {  	_ =	shalt  }
0x5e: {  	_ =	shalt  }
0x5f: {  	_ =	shalt  }
0x60: {  	_ =	shalt  }
0x61: {  	_ =	shalt  }
0x62: {  	_ =	shalt  }
0x63: {  	_ =	shalt  }
0x64: {  	_ =	shalt  }
0x65: {  	_ =	shalt  }
0x66: {  	_ =	shalt  }
0x67: {  	_ =	shalt  }
0x68: {  	_ =	shalt  }
0x69: {  	_ =	shalt  }
0x6a: {  	_ =	shalt  }
0x6b: {  	_ =	shalt  }
0x6c: {  	_ =	shalt  }
0x6d: {  	_ =	shalt  }
0x6e: {  	_ =	shalt  }
0x6f: {  	_ =	shalt  }
0x70: {  	_ =	shalt  }
0x71: {  	_ =	shalt  }
0x72: {  	_ =	shalt  }
0x73: {  	_ =	shalt  }
0x74: {  	_ =	shalt  }
0x75: {  	_ =	shalt  }
0x76: {  	_ =	shalt  }
0x77: {  	_ =	shalt  }
0x78: {  	_ =	shalt  }
0x79: {  	_ =	shalt  }
0x7a: {  	_ =	shalt  }
0x7b: {  	_ =	shalt  }
0x7c: {  	_ =	shalt  }
0x7d: {  	_ =	shalt  }
0x7e: {  	_ =	shalt  }
0x7f: {  	_ =	shalt  }
0x80: {  	_ =	shalt  }
0x81: {  	_ =	shalt  }
0x82: {  	_ =	shalt  }
0x83: {  	_ =	shalt  }
0x84: {  	_ =	shalt  }
0x85: {  	_ =	shalt  }
0x86: {  	_ =	shalt  }
0x87: {  	_ =	shalt  }
.Lfunc_end0:
.L_simem_size_0:
called_computation_lowered:
.L_overlay_start_0:
0x88: {  	s2 =	sld [smem:$0x3FD9]  }
0x89: {  	s3 =	sld [smem:$0x3FFE];
	_ =	sdelay $0x1  }
0x8a: {  	s1 =	srdreg.scid  }
0x8b: {  	s0 =	sand.u32 $0x1, s1  }
0x8c: {  	s17 =	sshll.u32 s0, $0xA;
	s2 =	sadd.s32 s3, s2  }
0x8d: {  	s2 =	sadd.s32 s2, s17  }
0x8e: {  	[smem:$0x3FC6] =	sst s2  }
0x8f: {  	_ = 	snop  }
0x90: {  	s2 =	sld [smem:$0x3FC9]  }
0x91: {  	s18 =	sld [smem:$0x3FD0];
	(tm) =	ssettm $0x1  }
0x92: {  	s4 =	sld [smem:$0x3FFB];
	_ =	sdelay $0x3  }
0x93: {  	_ =	strace s4  }
0x94: {  	s4 =	sld [smem:$0x3FFC];
	_ =	sdelay $0x3  }
0x95: {  	_ =	strace s4  }
0x96: {  	s4 =	sld [smem:$0x3FFD];
	_ =	sdelay $0x3  }
0x97: {  	_ =	strace s4  }
0x98: {  	_ =	strace $0x8FFFFFFF  }
0x99: {  	s19 =	sld [smem:$0x3FDB];
	_ =	sdelay $0x1  }
0x9a: {  	s5 =	simm.s32 $_scs_section_size  }
0x9b: {  	s6 =	simm.s32 $_size__tile_overlayer_lowered;
	s7 =	simm.s32 $_tile_overlayer_lowered  }
0x9c: {  	s22 =	simm.s32 $0x1BFF;
	s21 =	sshll.u32 s7, $0x1;
	s4 =	sadd.s32 s5, s19  }
0x9d: {  	s8 =	simm.s32 $0x0;
	s20 =	sshll.u32 s6, $0x1;
	s6 =	sadd.s32 s21, s4  }
0x9e: {  	[timem:s8], [sflag:s22] =	dma.local [hbm:s6], s20  }
0x9f: {  	_ =	swait.ge [sflag:s22], s20  }
0xa0: {  	s5 =	ssub.s32 $0x0, s20;
	[sflag:s22] =	ssyncset.done $0x0  }
0xa1: {  	[sflag:s22] =	ssyncadd.s32 s5;
	_ =	sdelay $0x1  }
0xa2: {  	s23 =	simm.s32 $0x1B8B  }
0xa3: {  	_ =	swait.ge [sflag:s23], $0x1  }
0xa4: {  	[sflag:s23] =	ssyncset.done $0x0  }
0xa5: {  	s25 =	simm.s32 $0x1B8E;
	s24 =	sld [smem:$0x3FFE];
	[sflag:s23] =	ssyncadd.s32 $0xFFFFFFFF  }
0xa6: {  	s26 =	simm.s32 $execute0_lowered;
	[smem:$0x3FD2] =	sst s25  }
0xa7: {  	s6 =	sshll.u32 s26, $0x1;
	_ =	strace $0x80000046;
	[dreg:$0x1] =	wrdreg $0xFFFFFFFF  }
0xa8: {  	s28 =	simm.s32 $_size_execute0_lowered;
	s4 =	sadd.s32 s4, s6;
	[dreg:$0x0] =	wrdreg $0x0  }
0xa9: {  	s6 =	sshll.u32 s28, $0x1;
	[dreg:$0x2] =	wrdreg s4  }
0xaa: {  	[dreg:$0x3] =	wrdreg s6  }
0xab: {  	[dreg:$0x4] =	wrdreg $0xC0  }
0xac: {  	_ =	task [dreg:s8], $0x5FFFF  }
0xad: {  	[dreg:$0x1] =	wrdreg $0xFFFFFFFF  }
0xae: {  	[dreg:$0x0] =	wrdreg $0x60  }
0xaf: {  	[dreg:$0x2] =	wrdreg s2  }
0xb0: {  	[dreg:$0x3] =	wrdreg s24  }
0xb1: {  	[dreg:$0x4] =	wrdreg s18  }
0xb2: {  	[dreg:$0x5] =	wrdreg $0x9  }
0xb3: {  	_ =	task.clear_ibuf [dreg:s8], $0x6FFFF;
	_ =	strace $0x90000046  }
0xb4: {  	s29 =	simm.s32 $0x9;
	_ =	strace $0x80000048  }
0xb5: {  	_ =	swait.ge [sflag:s29], $0x1  }
0xb6: {  	[sflag:s29] =	ssyncadd.s32 $0xFFFFFFFF  }
0xb7: {  	_ =	strace $0x90000048  }
0xb8: {  	_ =	sfence  }
0xb9: {  	s30 =	sld [smem:$0x0];
	_ =	sdelay $0x2  }
0xba: {  	s31 =	sshll.u32 s1, $0xD;
	s1 =	sshrl.u32 s1, $0x2  }
0xbb: {  	s3 =	sand.u32 $0x4000, s31;
	s1 =	sadd.s32 s1, s30  }
0xbc: {  	s0 =	sor.u32 s3, s0;
	s1 =	sshll.u32 s1, $0x11  }
0xbd: {  	s0 =	sor.u32 s1, s0  }
0xbe: {  	s0 =	sadd.s32 $0x8F2B, s0  }
0xbf: {  	[sflag:s0] =	ssyncadd.remote.s32 $0x1  }
0xc0: {  	_ =	sfence.sel $0xFFFF  }
0xc1: {  	[dreg:$0x0] =	wrdreg $0xFFFFFFFF;
	(pc) =	sbr.abs _section_cstart, $3  }
0xc2: {  	[dreg:$0x1] =	wrdreg $0xFFFFFFFF  }
0xc3: {  	_ =	task.clear_ibuf [dreg:s8], $0x2FFFF;
	_ =	strace $0x9FFFFFFF  }
0xc4: {  	(tm) =	ssettm $0x7FFFFFFF  }
0xc5: {  	_ =	shalt  }
tec
execute0_lowered:
.L_overlay_start_1:
0x0: {  	(tag) =	ssettag $0x1  }
0x1: {  	s1 =	rddreg [dreg:$0x0]  }
0x2: {  	s0 =	rddreg [dreg:$0x1]  }
0x3: {  	s2 =	rddreg [dreg:$0x2];
	s4 =	srdreg.scid  }
0x4: {  	s3 =	simm.s32 $0x0;
	s8 =	stileid.u32;
	s24 =	simm.s32 $0x80  }
0x5: {  	s28 =	simm.s32 $0x1480;
	s29 =	simm.s32 $0x4480;
	s30 =	simm.s32 $0x2  }
0x6: {  	s31 =	simm.s32 $0x0;
	s4 =	sand.u32 $0x1, s4;
	[smem:$0x7FF] =	sst s3  }
0x7: {  	s5 =	sshll.u32 s8, $0x12;
	s26 =	sshrl.u32 s8, $0x1;
	s6 =	sshll.u32 s4, $0x11  }
0x8: {  	_ =	strace $0x80000047;
	s7 =	ssub.s32 $0x2, s4;
	s4 =	sadd.s32 $0x400, s0  }
0x9: {  	v1 =	vmov s26;
	s26 =	simm.s32 $0x480;
	s5 =	sor.u32 s6, s5;
	s25 =	sshrl.u32 s7, $0x1  }
0xa: {  	s5 =	sadd.s32 s2, s5;
	s0 =	ssub.s32 s7, s25;
	s25 =	simm.s32 $0x1  }
0xb: {  	s6 =	sadd.s32 $0x200, s5;
	s7 =	sadd.s32 $0x800, s5;
	s8 =	sadd.s32 $0x2000, s5  }
0xc: {  	s9 =	sadd.s32 $0x4000, s5;
	s10 =	sadd.s32 $0x6000, s5;
	s11 =	sadd.s32 $0x8000, s5  }
0xd: {  	v0 =	vlaneseq.u32;
	s12 =	sadd.s32 $0xA000, s5;
	s13 =	sadd.s32 $0xC000, s5;
	s14 =	sadd.s32 $0xE000, s5  }
0xe: {  	v2 =	vor.u32 $0x10, v0;
	s15 =	sadd.s32 $0x10000, s5;
	s16 =	sadd.s32 $0x12000, s5;
	s17 =	sadd.s32 $0x14000, s5  }
0xf: {  	v3 =	vor.u32 $0x20, v0;
	v4 =	vor.u32 $0x30, v0;
	v5 =	vor.u32 $0x40, v0;
	s18 =	sadd.s32 $0x16000, s5;
	s19 =	sadd.s32 $0x18000, s5;
	s20 =	sadd.s32 $0x1A000, s5  }
0x10: {  	v6 =	vor.u32 $0x50, v0;
	v7 =	vor.u32 $0x60, v0;
	v8 =	vor.u32 $0x70, v0;
	s21 =	sadd.s32 $0x1C000, s5;
	s22 =	sadd.s32 $0x1E000, s5;
	s23 =	smax.u32 s0, $0x1  }
.LBB2_1:
0x11: {  	[tilespmem:s3], [sflag:$0x1] =	stream.linear.gather [hbm4b:s4+s3], $0x80, $0x38;
	[tilespmem:$0x10480] =	vst v63  }
0x12: {  	_ = 	snop  }
0x13: {  	[tilespmem:s24], [sflag:$0x1] =	stream.linear.gather [hbm4b:s1+s3], $0x400, $0x38;
	[tilespmem:$0x10480] =	vst v63  }
0x14: {  	_ =	swait.ge [sflag:s25], $0x80  }
0x15: {  	[sflag:s25] =	ssyncset.done $0x0  }
0x16: {  	[sflag:s25] =	ssyncadd.s32 $0xFFFFFF80  }
0x17: {  	_ =	swait.ge [sflag:s25], $0x400  }
0x18: {  	[sflag:s25] =	ssyncset.done $0x0  }
0x19: {  	[sflag:s25] =	ssyncadd.s32 $0xFFFFFC00  }
0x1a: {  	v9 =	vld.idx.msk [tilespmem:v1+s3+$0x0], $0xffff;
	_ =	sdelay $0x4  }
0x1b: {  	v12 =	vshll.u32 v9, $0x7  }
0x1c: {  	v13 =	vor.u32 v4, v12  }
0x1d: {  	v14 =	vor.u32 v5, v12  }
0x1e: {  	v15 =	vor.u32 v6, v12  }
0x1f: {  	v16 =	vor.u32 v7, v12  }
0x20: {  	v17 =	vor.u32 v8, v12  }
0x21: {  	v9 =	vor.u32 v0, v12;
	v10 =	vor.u32 v2, v12;
	v11 =	vor.u32 v3, v12;
	v12 =	vld.idx.msk [tilespmem:v13+s24+$0x0], $0xffff  }
0x22: {  	v13 =	vld.idx.msk [tilespmem:v14+s24+$0x0], $0xffff  }
0x23: {  	v14 =	vld.idx.msk [tilespmem:v15+s24+$0x0], $0xffff  }
0x24: {  	v15 =	vld.idx.msk [tilespmem:v16+s24+$0x0], $0xffff  }
0x25: {  	v16 =	vld.idx.msk [tilespmem:v17+s24+$0x0], $0xffff  }
0x26: {  	v9 =	vld.idx.msk [tilespmem:v9+s24+$0x0], $0xffff  }
0x27: {  	v10 =	vld.idx.msk [tilespmem:v10+s24+$0x0], $0xffff  }
0x28: {  	v11 =	vld.idx.msk [tilespmem:v11+s24+$0x0], $0xffff  }
0x29: {  	s0 =	simm.s32 $0x0;
	s2 =	simm.s32 $0x800  }
.LBB2_2:
0x2a: {  	p0 =	sne.s32 s2, $0x3800;
	[tilespmem:s0+$0x670] =	vst v16  }
0x2b: {  	[tilespmem:s0+$0x480] =	vst v9  }
0x2c: {  	[tilespmem:s0+$0x490] =	vst v10  }
0x2d: {  	[tilespmem:s0+$0x4A0] =	vst v11  }
0x2e: {  	[tilespmem:s0+$0x4B0] =	vst v12  }
0x2f: {  	[tilespmem:s0+$0x4C0] =	vst v13  }
0x30: {  	[tilespmem:s0+$0x4D0] =	vst v14  }
0x31: {  	[tilespmem:s0+$0x4E0] =	vst v15  }
0x32: {  	[tilespmem:s0+$0x4F0] =	vst v16  }
0x33: {  	[tilespmem:s0+$0x500] =	vst v9  }
0x34: {  	[tilespmem:s0+$0x510] =	vst v10  }
0x35: {  	[tilespmem:s0+$0x520] =	vst v11  }
0x36: {  	[tilespmem:s0+$0x530] =	vst v12  }
0x37: {  	[tilespmem:s0+$0x540] =	vst v13  }
0x38: {  	[tilespmem:s0+$0x550] =	vst v14  }
0x39: {  	[tilespmem:s0+$0x560] =	vst v15  }
0x3a: {  	[tilespmem:s0+$0x570] =	vst v16  }
0x3b: {  	[tilespmem:s0+$0x580] =	vst v9  }
0x3c: {  	[tilespmem:s0+$0x590] =	vst v10  }
0x3d: {  	[tilespmem:s0+$0x5A0] =	vst v11  }
0x3e: {  	[tilespmem:s0+$0x5B0] =	vst v12  }
0x3f: {  	[tilespmem:s0+$0x5C0] =	vst v13  }
0x40: {  	[tilespmem:s0+$0x5D0] =	vst v14  }
0x41: {  	[tilespmem:s0+$0x5E0] =	vst v15  }
0x42: {  	[tilespmem:s0+$0x5F0] =	vst v16  }
0x43: {  	[tilespmem:s0+$0x600] =	vst v9  }
0x44: {  	[tilespmem:s0+$0x610] =	vst v10  }
.Ltmp0:
0x45: {  	[tilespmem:s0+$0x620] =	vst v11;
	(pc) =	sbr.rel @p0 .LBB2_2-.Ltmp0, $4  }
0x46: {  	[tilespmem:s0+$0x630] =	vst v12  }
0x47: {  	[tilespmem:s0+$0x640] =	vst v13  }
0x48: {  	[tilespmem:s0+$0x650] =	vst v14  }
0x49: {  	[tilespmem:s0+$0x660] =	vst v15;
	s0 =	sshra.s32 s2, $0x2;
	s2 =	sadd.s32 $0x800, s2  }
0x4a: {  	[tilespmem:s0+$0x670] =	vst v16  }
0x4b: {  	[tilespmem:s0+$0x480] =	vst v9  }
0x4c: {  	[tilespmem:s0+$0x490] =	vst v10  }
0x4d: {  	[tilespmem:s0+$0x4A0] =	vst v11  }
0x4e: {  	[tilespmem:s0+$0x4B0] =	vst v12  }
0x4f: {  	[tilespmem:s0+$0x4C0] =	vst v13  }
0x50: {  	[tilespmem:s0+$0x4D0] =	vst v14  }
0x51: {  	[tilespmem:s0+$0x4E0] =	vst v15  }
0x52: {  	[tilespmem:s0+$0x4F0] =	vst v16  }
0x53: {  	[tilespmem:s0+$0x500] =	vst v9  }
0x54: {  	[tilespmem:s0+$0x510] =	vst v10  }
0x55: {  	[tilespmem:s0+$0x520] =	vst v11  }
0x56: {  	[tilespmem:s0+$0x530] =	vst v12  }
0x57: {  	[tilespmem:s0+$0x540] =	vst v13  }
0x58: {  	[tilespmem:s0+$0x550] =	vst v14  }
0x59: {  	[tilespmem:s0+$0x560] =	vst v15  }
0x5a: {  	[tilespmem:s0+$0x570] =	vst v16  }
0x5b: {  	[tilespmem:s0+$0x580] =	vst v9  }
0x5c: {  	[tilespmem:s0+$0x590] =	vst v10  }
0x5d: {  	[tilespmem:s0+$0x5A0] =	vst v11  }
0x5e: {  	[tilespmem:s0+$0x5B0] =	vst v12  }
0x5f: {  	[tilespmem:s0+$0x5C0] =	vst v13  }
0x60: {  	[tilespmem:s0+$0x5D0] =	vst v14  }
0x61: {  	[tilespmem:s0+$0x5E0] =	vst v15  }
0x62: {  	[tilespmem:s0+$0x5F0] =	vst v16  }
0x63: {  	[tilespmem:s0+$0x600] =	vst v9  }
0x64: {  	[tilespmem:s0+$0x610] =	vst v10  }
0x65: {  	[tilespmem:s0+$0x620] =	vst v11  }
0x66: {  	[tilespmem:s0+$0x630] =	vst v12  }
0x67: {  	[tilespmem:s0+$0x640] =	vst v13  }
0x68: {  	[tilespmem:s0+$0x650] =	vst v14  }
0x69: {  	[tilespmem:s0+$0x660] =	vst v15;
	s2 =	simm.s32 $0x0  }
0x6a: {  	[hbm4b:s5+s2] =	stream.linear.scatter [tilespmem:s26], [sflag:$0x2], $0x1000, $0x38;
	[tilespmem:$0x10480] =	vst v63  }
0x6b: {  	s0 =	simm.s32 $0x0;
	s2 =	simm.s32 $0x800  }
.LBB2_4:
0x6c: {  	p0 =	sne.s32 s2, $0xB800;
	[tilespmem:s0+$0x1670] =	vst v16  }
0x6d: {  	[tilespmem:s0+$0x1480] =	vst v9  }
0x6e: {  	[tilespmem:s0+$0x1490] =	vst v10  }
0x6f: {  	[tilespmem:s0+$0x14A0] =	vst v11  }
0x70: {  	[tilespmem:s0+$0x14B0] =	vst v12  }
0x71: {  	[tilespmem:s0+$0x14C0] =	vst v13  }
0x72: {  	[tilespmem:s0+$0x14D0] =	vst v14  }
0x73: {  	[tilespmem:s0+$0x14E0] =	vst v15  }
0x74: {  	[tilespmem:s0+$0x14F0] =	vst v16  }
0x75: {  	[tilespmem:s0+$0x1500] =	vst v9  }
0x76: {  	[tilespmem:s0+$0x1510] =	vst v10  }
0x77: {  	[tilespmem:s0+$0x1520] =	vst v11  }
0x78: {  	[tilespmem:s0+$0x1530] =	vst v12  }
0x79: {  	[tilespmem:s0+$0x1540] =	vst v13  }
0x7a: {  	[tilespmem:s0+$0x1550] =	vst v14  }
0x7b: {  	[tilespmem:s0+$0x1560] =	vst v15  }
0x7c: {  	[tilespmem:s0+$0x1570] =	vst v16  }
0x7d: {  	[tilespmem:s0+$0x1580] =	vst v9  }
0x7e: {  	[tilespmem:s0+$0x1590] =	vst v10  }
0x7f: {  	[tilespmem:s0+$0x15A0] =	vst v11  }
0x80: {  	[tilespmem:s0+$0x15B0] =	vst v12  }
0x81: {  	[tilespmem:s0+$0x15C0] =	vst v13  }
0x82: {  	[tilespmem:s0+$0x15D0] =	vst v14  }
0x83: {  	[tilespmem:s0+$0x15E0] =	vst v15  }
0x84: {  	[tilespmem:s0+$0x15F0] =	vst v16  }
0x85: {  	[tilespmem:s0+$0x1600] =	vst v9  }
0x86: {  	[tilespmem:s0+$0x1610] =	vst v10  }
.Ltmp1:
0x87: {  	[tilespmem:s0+$0x1620] =	vst v11;
	(pc) =	sbr.rel @p0 .LBB2_4-.Ltmp1, $4  }
0x88: {  	[tilespmem:s0+$0x1630] =	vst v12  }
0x89: {  	[tilespmem:s0+$0x1640] =	vst v13  }
0x8a: {  	[tilespmem:s0+$0x1650] =	vst v14  }
0x8b: {  	[tilespmem:s0+$0x1660] =	vst v15;
	s0 =	sshra.s32 s2, $0x2;
	s2 =	sadd.s32 $0x800, s2  }
0x8c: {  	[tilespmem:s0+$0x1670] =	vst v16  }
0x8d: {  	[tilespmem:s0+$0x1480] =	vst v9  }
0x8e: {  	[tilespmem:s0+$0x1490] =	vst v10  }
0x8f: {  	[tilespmem:s0+$0x14A0] =	vst v11  }
0x90: {  	[tilespmem:s0+$0x14B0] =	vst v12  }
0x91: {  	[tilespmem:s0+$0x14C0] =	vst v13  }
0x92: {  	[tilespmem:s0+$0x14D0] =	vst v14  }
0x93: {  	[tilespmem:s0+$0x14E0] =	vst v15  }
0x94: {  	[tilespmem:s0+$0x14F0] =	vst v16  }
0x95: {  	[tilespmem:s0+$0x1500] =	vst v9  }
0x96: {  	[tilespmem:s0+$0x1510] =	vst v10  }
0x97: {  	[tilespmem:s0+$0x1520] =	vst v11  }
0x98: {  	[tilespmem:s0+$0x1530] =	vst v12  }
0x99: {  	[tilespmem:s0+$0x1540] =	vst v13  }
0x9a: {  	[tilespmem:s0+$0x1550] =	vst v14  }
0x9b: {  	[tilespmem:s0+$0x1560] =	vst v15  }
0x9c: {  	[tilespmem:s0+$0x1570] =	vst v16  }
0x9d: {  	[tilespmem:s0+$0x1580] =	vst v9  }
0x9e: {  	[tilespmem:s0+$0x1590] =	vst v10  }
0x9f: {  	[tilespmem:s0+$0x15A0] =	vst v11  }
0xa0: {  	[tilespmem:s0+$0x15B0] =	vst v12  }
0xa1: {  	[tilespmem:s0+$0x15C0] =	vst v13  }
0xa2: {  	[tilespmem:s0+$0x15D0] =	vst v14  }
0xa3: {  	[tilespmem:s0+$0x15E0] =	vst v15  }
0xa4: {  	[tilespmem:s0+$0x15F0] =	vst v16  }
0xa5: {  	[tilespmem:s0+$0x1600] =	vst v9  }
0xa6: {  	[tilespmem:s0+$0x1610] =	vst v10  }
0xa7: {  	[tilespmem:s0+$0x1620] =	vst v11  }
0xa8: {  	[tilespmem:s0+$0x1630] =	vst v12  }
0xa9: {  	[tilespmem:s0+$0x1640] =	vst v13  }
0xaa: {  	[tilespmem:s0+$0x1650] =	vst v14  }
0xab: {  	[tilespmem:s0+$0x1660] =	vst v15;
	s2 =	simm.s32 $0x0  }
0xac: {  	[hbm4b:s6+s2] =	stream.linear.scatter [tilespmem:s28], [sflag:$0x2], $0x3000, $0x38;
	[tilespmem:$0x10480] =	vst v63  }
0xad: {  	s0 =	simm.s32 $0x0;
	s2 =	simm.s32 $0x800  }
.LBB2_6:
0xae: {  	p0 =	sne.s32 s2, $0x2F800;
	[tilespmem:s0+$0x4670] =	vst v16  }
0xaf: {  	[tilespmem:s0+$0x4480] =	vst v9  }
0xb0: {  	[tilespmem:s0+$0x4490] =	vst v10  }
0xb1: {  	[tilespmem:s0+$0x44A0] =	vst v11  }
0xb2: {  	[tilespmem:s0+$0x44B0] =	vst v12  }
0xb3: {  	[tilespmem:s0+$0x44C0] =	vst v13  }
0xb4: {  	[tilespmem:s0+$0x44D0] =	vst v14  }
0xb5: {  	[tilespmem:s0+$0x44E0] =	vst v15  }
0xb6: {  	[tilespmem:s0+$0x44F0] =	vst v16  }
0xb7: {  	[tilespmem:s0+$0x4500] =	vst v9  }
0xb8: {  	[tilespmem:s0+$0x4510] =	vst v10  }
0xb9: {  	[tilespmem:s0+$0x4520] =	vst v11  }
0xba: {  	[tilespmem:s0+$0x4530] =	vst v12  }
0xbb: {  	[tilespmem:s0+$0x4540] =	vst v13  }
0xbc: {  	[tilespmem:s0+$0x4550] =	vst v14  }
0xbd: {  	[tilespmem:s0+$0x4560] =	vst v15  }
0xbe: {  	[tilespmem:s0+$0x4570] =	vst v16  }
0xbf: {  	[tilespmem:s0+$0x4580] =	vst v9  }
0xc0: {  	[tilespmem:s0+$0x4590] =	vst v10  }
0xc1: {  	[tilespmem:s0+$0x45A0] =	vst v11  }
0xc2: {  	[tilespmem:s0+$0x45B0] =	vst v12  }
0xc3: {  	[tilespmem:s0+$0x45C0] =	vst v13  }
0xc4: {  	[tilespmem:s0+$0x45D0] =	vst v14  }
0xc5: {  	[tilespmem:s0+$0x45E0] =	vst v15  }
0xc6: {  	[tilespmem:s0+$0x45F0] =	vst v16  }
0xc7: {  	[tilespmem:s0+$0x4600] =	vst v9  }
0xc8: {  	[tilespmem:s0+$0x4610] =	vst v10  }
.Ltmp2:
0xc9: {  	[tilespmem:s0+$0x4620] =	vst v11;
	(pc) =	sbr.rel @p0 .LBB2_6-.Ltmp2, $4  }
0xca: {  	[tilespmem:s0+$0x4630] =	vst v12  }
0xcb: {  	[tilespmem:s0+$0x4640] =	vst v13  }
0xcc: {  	[tilespmem:s0+$0x4650] =	vst v14  }
0xcd: {  	[tilespmem:s0+$0x4660] =	vst v15;
	s0 =	sshra.s32 s2, $0x2;
	s2 =	sadd.s32 $0x800, s2  }
0xce: {  	[tilespmem:s0+$0x4670] =	vst v16  }
0xcf: {  	[tilespmem:s0+$0x4480] =	vst v9  }
0xd0: {  	[tilespmem:s0+$0x4490] =	vst v10  }
0xd1: {  	[tilespmem:s0+$0x44A0] =	vst v11  }
0xd2: {  	[tilespmem:s0+$0x44B0] =	vst v12  }
0xd3: {  	[tilespmem:s0+$0x44C0] =	vst v13  }
0xd4: {  	[tilespmem:s0+$0x44D0] =	vst v14  }
0xd5: {  	[tilespmem:s0+$0x44E0] =	vst v15  }
0xd6: {  	[tilespmem:s0+$0x44F0] =	vst v16  }
0xd7: {  	[tilespmem:s0+$0x4500] =	vst v9  }
0xd8: {  	[tilespmem:s0+$0x4510] =	vst v10  }
0xd9: {  	[tilespmem:s0+$0x4520] =	vst v11  }
0xda: {  	[tilespmem:s0+$0x4530] =	vst v12  }
0xdb: {  	[tilespmem:s0+$0x4540] =	vst v13  }
0xdc: {  	[tilespmem:s0+$0x4550] =	vst v14  }
0xdd: {  	[tilespmem:s0+$0x4560] =	vst v15  }
0xde: {  	[tilespmem:s0+$0x4570] =	vst v16  }
0xdf: {  	[tilespmem:s0+$0x4580] =	vst v9  }
0xe0: {  	[tilespmem:s0+$0x4590] =	vst v10  }
0xe1: {  	[tilespmem:s0+$0x45A0] =	vst v11  }
0xe2: {  	[tilespmem:s0+$0x45B0] =	vst v12  }
0xe3: {  	[tilespmem:s0+$0x45C0] =	vst v13  }
0xe4: {  	[tilespmem:s0+$0x45D0] =	vst v14  }
0xe5: {  	[tilespmem:s0+$0x45E0] =	vst v15  }
0xe6: {  	[tilespmem:s0+$0x45F0] =	vst v16  }
0xe7: {  	[tilespmem:s0+$0x4600] =	vst v9  }
0xe8: {  	[tilespmem:s0+$0x4610] =	vst v10  }
0xe9: {  	[tilespmem:s0+$0x4620] =	vst v11  }
0xea: {  	[tilespmem:s0+$0x4630] =	vst v12  }
0xeb: {  	[tilespmem:s0+$0x4640] =	vst v13  }
0xec: {  	[tilespmem:s0+$0x4650] =	vst v14  }
0xed: {  	[tilespmem:s0+$0x4660] =	vst v15  }
0xee: {  	[hbm4b:s7+s3] =	stream.linear.scatter [tilespmem:s29], [sflag:$0x2], $0xC000, $0x38;
	[tilespmem:$0x10480] =	vst v63  }
0xef: {  	_ = 	snop  }
0xf0: {  	[hbm4b:s8+s3] =	stream.linear.scatter [tilespmem:s26], [sflag:$0x2], $0x10000, $0x38;
	[tilespmem:$0x10480] =	vst v63  }
0xf1: {  	_ = 	snop  }
0xf2: {  	[hbm4b:s9+s3] =	stream.linear.scatter [tilespmem:s26], [sflag:$0x2], $0x10000, $0x38;
	[tilespmem:$0x10480] =	vst v63  }
0xf3: {  	_ = 	snop  }
0xf4: {  	[hbm4b:s10+s3] =	stream.linear.scatter [tilespmem:s26], [sflag:$0x2], $0x10000, $0x38;
	[tilespmem:$0x10480] =	vst v63  }
0xf5: {  	_ = 	snop  }
0xf6: {  	[hbm4b:s11+s3] =	stream.linear.scatter [tilespmem:s26], [sflag:$0x2], $0x10000, $0x38;
	[tilespmem:$0x10480] =	vst v63  }
0xf7: {  	_ = 	snop  }
0xf8: {  	[hbm4b:s12+s3] =	stream.linear.scatter [tilespmem:s26], [sflag:$0x2], $0x10000, $0x38;
	[tilespmem:$0x10480] =	vst v63  }
0xf9: {  	_ = 	snop  }
0xfa: {  	[hbm4b:s13+s3] =	stream.linear.scatter [tilespmem:s26], [sflag:$0x2], $0x10000, $0x38;
	[tilespmem:$0x10480] =	vst v63  }
0xfb: {  	_ = 	snop  }
0xfc: {  	[hbm4b:s14+s3] =	stream.linear.scatter [tilespmem:s26], [sflag:$0x2], $0x10000, $0x38;
	[tilespmem:$0x10480] =	vst v63  }
0xfd: {  	_ = 	snop  }
0xfe: {  	[hbm4b:s15+s3] =	stream.linear.scatter [tilespmem:s26], [sflag:$0x2], $0x10000, $0x38;
	[tilespmem:$0x10480] =	vst v63  }
0xff: {  	_ = 	snop  }
0x100: {  	[hbm4b:s16+s3] =	stream.linear.scatter [tilespmem:s26], [sflag:$0x2], $0x10000, $0x38;
	[tilespmem:$0x10480] =	vst v63  }
0x101: {  	_ = 	snop  }
0x102: {  	[hbm4b:s17+s3] =	stream.linear.scatter [tilespmem:s26], [sflag:$0x2], $0x10000, $0x38;
	[tilespmem:$0x10480] =	vst v63  }
0x103: {  	_ = 	snop  }
0x104: {  	[hbm4b:s18+s3] =	stream.linear.scatter [tilespmem:s26], [sflag:$0x2], $0x10000, $0x38;
	[tilespmem:$0x10480] =	vst v63  }
0x105: {  	_ = 	snop  }
0x106: {  	[hbm4b:s19+s3] =	stream.linear.scatter [tilespmem:s26], [sflag:$0x2], $0x10000, $0x38;
	[tilespmem:$0x10480] =	vst v63  }
0x107: {  	_ = 	snop  }
0x108: {  	[hbm4b:s20+s3] =	stream.linear.scatter [tilespmem:s26], [sflag:$0x2], $0x10000, $0x38;
	[tilespmem:$0x10480] =	vst v63  }
0x109: {  	_ = 	snop  }
0x10a: {  	[hbm4b:s21+s3] =	stream.linear.scatter [tilespmem:s26], [sflag:$0x2], $0x10000, $0x38;
	[tilespmem:$0x10480] =	vst v63  }
0x10b: {  	_ = 	snop  }
0x10c: {  	[hbm4b:s22+s3] =	stream.linear.scatter [tilespmem:s26], [sflag:$0x2], $0x10000, $0x38;
	[tilespmem:$0x10480] =	vst v63  }
0x10d: {  	_ =	swait.ge [sflag:s30], $0x1000  }
0x10e: {  	[sflag:s30] =	ssyncset.done $0x0  }
0x10f: {  	[sflag:s30] =	ssyncadd.s32 $0xFFFFF000  }
0x110: {  	_ =	swait.ge [sflag:s30], $0x3000  }
0x111: {  	[sflag:s30] =	ssyncset.done $0x0  }
0x112: {  	[sflag:s30] =	ssyncadd.s32 $0xFFFFD000  }
0x113: {  	_ =	swait.ge [sflag:s30], $0xC000  }
0x114: {  	[sflag:s30] =	ssyncset.done $0x0  }
0x115: {  	[sflag:s30] =	ssyncadd.s32 $0xFFFF4000  }
0x116: {  	_ =	swait.ge [sflag:s30], $0x10000  }
0x117: {  	[sflag:s30] =	ssyncset.done $0x0  }
0x118: {  	[sflag:s30] =	ssyncadd.s32 $0xFFFF0000  }
0x119: {  	_ =	swait.ge [sflag:s30], $0x10000  }
0x11a: {  	[sflag:s30] =	ssyncset.done $0x0  }
0x11b: {  	[sflag:s30] =	ssyncadd.s32 $0xFFFF0000  }
0x11c: {  	_ =	swait.ge [sflag:s30], $0x10000  }
0x11d: {  	[sflag:s30] =	ssyncset.done $0x0  }
0x11e: {  	[sflag:s30] =	ssyncadd.s32 $0xFFFF0000  }
0x11f: {  	_ =	swait.ge [sflag:s30], $0x10000  }
0x120: {  	[sflag:s30] =	ssyncset.done $0x0  }
0x121: {  	[sflag:s30] =	ssyncadd.s32 $0xFFFF0000  }
0x122: {  	_ =	swait.ge [sflag:s30], $0x10000  }
0x123: {  	[sflag:s30] =	ssyncset.done $0x0  }
0x124: {  	[sflag:s30] =	ssyncadd.s32 $0xFFFF0000  }
0x125: {  	_ =	swait.ge [sflag:s30], $0x10000  }
0x126: {  	[sflag:s30] =	ssyncset.done $0x0  }
0x127: {  	[sflag:s30] =	ssyncadd.s32 $0xFFFF0000  }
0x128: {  	_ =	swait.ge [sflag:s30], $0x10000  }
0x129: {  	[sflag:s30] =	ssyncset.done $0x0  }
0x12a: {  	[sflag:s30] =	ssyncadd.s32 $0xFFFF0000  }
0x12b: {  	_ =	swait.ge [sflag:s30], $0x10000  }
0x12c: {  	[sflag:s30] =	ssyncset.done $0x0  }
0x12d: {  	[sflag:s30] =	ssyncadd.s32 $0xFFFF0000  }
0x12e: {  	_ =	swait.ge [sflag:s30], $0x10000  }
0x12f: {  	[sflag:s30] =	ssyncset.done $0x0  }
0x130: {  	[sflag:s30] =	ssyncadd.s32 $0xFFFF0000  }
0x131: {  	_ =	swait.ge [sflag:s30], $0x10000  }
0x132: {  	[sflag:s30] =	ssyncset.done $0x0  }
0x133: {  	[sflag:s30] =	ssyncadd.s32 $0xFFFF0000  }
0x134: {  	_ =	swait.ge [sflag:s30], $0x10000  }
0x135: {  	[sflag:s30] =	ssyncset.done $0x0  }
0x136: {  	[sflag:s30] =	ssyncadd.s32 $0xFFFF0000  }
0x137: {  	_ =	swait.ge [sflag:s30], $0x10000  }
0x138: {  	[sflag:s30] =	ssyncset.done $0x0  }
0x139: {  	[sflag:s30] =	ssyncadd.s32 $0xFFFF0000  }
0x13a: {  	_ =	swait.ge [sflag:s30], $0x10000  }
0x13b: {  	[sflag:s30] =	ssyncset.done $0x0  }
0x13c: {  	s31 =	sadd.s32 $0x1, s31;
	[sflag:s30] =	ssyncadd.s32 $0xFFFF0000  }
0x13d: {  	p0 =	sne.s32 s31, s23;
	_ =	swait.ge [sflag:s30], $0x10000  }
.Ltmp3:
0x13e: {  	[sflag:s30] =	ssyncset.done $0x0;
	(pc) =	sbr.rel @p0 .LBB2_1-.Ltmp3, $4  }
0x13f: {  	[sflag:s30] =	ssyncadd.s32 $0xFFFF0000  }
0x140: {  	_ =	swait.ge [sflag:s30], $0x10000  }
0x141: {  	[sflag:s30] =	ssyncset.done $0x0  }
0x142: {  	[sflag:s30] =	ssyncadd.s32 $0xFFFF0000  }
0x143: {  	_ =	sfence.sel $0x180000  }
0x144: {  	[bflag:$0x0] =	sbarrier.arrive $0xFFFF  }
0x145: {  	_ =	strace $0x90000047  }
0x146: {  	s0 =	stileid.u32;
	[bflag:$0x2] =	sbarrier.arrive $0xFFFF  }
0x147: {  	p0 =	sne.s32 s0, $0x0;
	s0 =	rddreg [dreg:$0x3]  }
0x148: {  	s0 =	sadd.s32 @!p0 $0x100000, s0  }
0x149: {  	[sflag:s0] =	ssyncadd.tile.s32 @!p0 $0x1;
	_ =	shalt  }
.Lfunc_end2:
_tile_overlayer_lowered:
.L_overlay_start_2:
0x14a: {  	(tag) =	ssettag $0x2  }
0x14b: {  	s0 =	rddreg [dreg:$0x0];
	s2 =	stileid.u32  }
0x14c: {  	s1 =	rddreg [dreg:$0x1];
	p0 =	sne.s32 s2, $0x0  }
0x14d: {  	s3 =	rddreg [dreg:$0x2];
	[bflag:$0x3] =	sbarrier.arrive $0xFFFF;
	s2 =	simm.s32 @!p0 $0x1C03  }
0x14e: {  	[timem:s3], [sflag:s2] =	dma.local @!p0 [hbm:s0], s1  }
0x14f: {  	s0 =	simm.s32 @!p0 $0x3  }
0x150: {  	_ =	swait.ge @!p0 [sflag:s0], s1  }
0x151: {  	s1 =	ssub.s32 @!p0 $0x0, s1;
	[sflag:s0] =	ssyncset.done @!p0 $0x0  }
0x152: {  	[sflag:s0] =	ssyncadd.s32 @!p0 s1  }
0x153: {  	[bflag:$0x3] =	sbarrier.arrive $0xFFFF  }
0x154: {  	_ =	shalt  }

</sc_bundles>
